<compile_context>
chip_gen: v7x
topology: tpu7x:2x2x1
jax: 0.10.2.dev20260603
libtpu: 0.0.44.dev20260713+nightly
codegen_flags: <defaults>
</compile_context>

<pallas_src>
import functools

import jax
import jax.numpy as jnp
from jax import lax
from jax.experimental import pallas as pl
from jax.experimental.pallas import tpu as pltpu
from jax.experimental.pallas import tpu_sc as plsc

_VOCAB = 1000000
_D = 64
_B = 4096
_H = 50
_N = _B * _H
_SCALE = 8.0

_NC = 2
_NS = 16
_NW = _NC * _NS
_C = 128
_CHUNKS = _N // (_NW * _C)


@jax.jit
def _sc_embed(idx3, tabp):
    mesh = plsc.VectorSubcoreMesh(
        core_axis_name="c", subcore_axis_name="s",
        num_cores=_NC, num_subcores=_NS)

    @functools.partial(
        pl.kernel,
        out_type=jax.ShapeDtypeStruct((_N, _D), jnp.float32),
        mesh=mesh,
        scratch_types=[
            pltpu.VMEM((_CHUNKS, _C), jnp.int32),
            pltpu.VMEM((2, _C, 2 * _D), jnp.float32),
            pltpu.VMEM((2, _C, _D), jnp.float32),
            pltpu.SemaphoreType.DMA,
            pltpu.SemaphoreType.DMA,
            pltpu.SemaphoreType.DMA,
            pltpu.SemaphoreType.DMA,
        ],
        compiler_params=pltpu.CompilerParams(use_tc_tiling_on_sc=False),
    )
    def k(idx_hbm, tab_hbm, out_hbm, idx_v, rows_v, out_v,
          gsem0, gsem1, osem0, osem1):
        gsems = (gsem0, gsem1)
        osems = (osem0, osem1)
        wid = lax.axis_index("s") * _NC + lax.axis_index("c")
        pltpu.sync_copy(idx_hbm.at[wid], idx_v)

        rbase0 = pl.multiple_of(wid * (_CHUNKS * _C), _C)

        def start_gather(ck, b):
            pltpu.async_copy(tab_hbm.at[idx_v.at[ck]], rows_v.at[b], gsems[b])

        def wait_gather(ck, b):
            pltpu.make_async_copy(
                tab_hbm.at[idx_v.at[ck]], rows_v.at[b], gsems[b]).wait()

        def wb_slice(ck):
            rb = pl.multiple_of(rbase0 + ck * _C, _C)
            return out_hbm.at[pl.ds(rb, _C)]

        def extract(b):
            rows = rows_v.at[b]
            outb = out_v.at[b]

            @plsc.parallel_loop(0, _C, 1, unroll=4)
            def _(j):
                for g in range(_D // 16):
                    sl = pl.ds(16 * g, 16)
                    outb[j, sl] = rows[j, sl] * _SCALE

        start_gather(0, 0)
        start_gather(1, 1)

        @pl.loop(0, _CHUNKS // 2)
        def _(g2):
            for b in (0, 1):
                ck = 2 * g2 + b
                wait_gather(ck, b)

                @pl.when(ck >= 2)
                def _():
                    pltpu.make_async_copy(
                        out_v.at[b], wb_slice(ck - 2), osems[b]).wait()

                extract(b)
                pltpu.async_copy(out_v.at[b], wb_slice(ck), osems[b])

                @pl.when(ck + 2 < _CHUNKS)
                def _():
                    start_gather(ck + 2, b)

        pltpu.make_async_copy(
            out_v.at[0], wb_slice(_CHUNKS - 2), osems[0]).wait()
        pltpu.make_async_copy(
            out_v.at[1], wb_slice(_CHUNKS - 1), osems[1]).wait()

    return k(idx3, tabp)


def kernel(inputs, embeddings):
    idx3 = inputs.astype(jnp.int32).reshape(_N).reshape(_NW, _CHUNKS, _C)
    tabp = jnp.pad(embeddings.T, ((0, _D), (0, 0))).T
    out = _sc_embed(idx3, tabp)
    return out.reshape(_B, _H, _D)

# --- scband reference (transcript-rebuilt; emitter-appended) ---
"""Pipeline reference for scband-embedding-10453950398991 (READ-ONLY COPY).

The authoritative reference and input builder live on the scoring server;
editing this copy changes nothing except your own understanding.
"""

import jax, jax.numpy as jnp
import numpy as np

VOCAB_SIZE = 1000000
MODEL_DIM = 64
BATCH = 4096
HIST_LEN = 50

def setup_inputs(seed: int = 0) -> dict:
    key = jax.random.key(seed)
    k_idx, k_emb = jax.random.split(key)
    inputs = jax.random.randint(k_idx, (BATCH, HIST_LEN), 0, VOCAB_SIZE, dtype=jnp.int64 if jax.config.jax_enable_x64 else jnp.int32)
    # glorot_uniform init for embedding table
    limit = np.sqrt(6.0 / (VOCAB_SIZE + MODEL_DIM))
    embeddings = jax.random.uniform(k_emb, (VOCAB_SIZE, MODEL_DIM), dtype=jnp.float32, minval=-limit, maxval=limit)
    return {"inputs": inputs, "embeddings": embeddings}

def reference(inputs, embeddings):
    idx = inputs.astype(jnp.int32)
    out = jnp.take(embeddings, idx, axis=0)
    out = out * (MODEL_DIM ** 0.5)
    return out

if __name__ == "__main__":
    import jax
    _d = setup_inputs()
    print(jax.jit(kernel)(*tuple(_d.values())))

</pallas_src>

<mosaic_0001>
#map = affine_map<(d0, d1) -> (0, 0, 0)>
#map1 = affine_map<(d0, d1) -> (0, 0)>
module attributes {stable_mosaic.version = 14 : i64} {
  func.func @k(%arg0: i32, %arg1: i32, %arg2: memref<32x50x128xi32, #tpu.memory_space<hbm>>, %arg3: memref<1000000x128xf32, #tpu.memory_space<hbm>>, %arg4: memref<204800x64xf32, #tpu.memory_space<hbm>>, %arg5: memref<50x128xi32, #tpu.memory_space<vmem>>, %arg6: memref<2x128x128xf32, #tpu.memory_space<vmem>>, %arg7: memref<2x128x64xf32, #tpu.memory_space<vmem>>, %arg8: memref<!tpu.dma_semaphore, #tpu.memory_space<semaphore_mem>>, %arg9: memref<!tpu.dma_semaphore, #tpu.memory_space<semaphore_mem>>, %arg10: memref<!tpu.dma_semaphore, #tpu.memory_space<semaphore_mem>>, %arg11: memref<!tpu.dma_semaphore, #tpu.memory_space<semaphore_mem>>) attributes {dimension_semantics = [#tpu.dimension_semantics<core_parallel>, #tpu.dimension_semantics<subcore_parallel>], iteration_bounds = array<i64: 2, 16>, scalar_prefetch = 0 : i64, scratch_operands = 7 : i64, tpu.core_type = #tpu.core_type<sc_vector_subcore>, window_params = [{transform_indices = #map}, {transform_indices = #map1}, {transform_indices = #map1}]} {
    %mul3A = arith.constant 2 : i32
    %mul3A_0 = arith.muli %arg1, %mul3A : i32
    %add3A = arith.addi %mul3A_0, %arg0 : i32
    "tpu.region"() ({
      %run_scoped3A = tpu.sem_alloc : memref<!tpu.dma_semaphore, #tpu.memory_space<semaphore_mem>>
      %dma_start3A_61 = arith.constant 0 : i32
      %dma_start3A_62 = arith.constant 0 : i32
      %dma_start3A_63 = tpu.memref_slice %arg2[%add3A, %dma_start3A_61, %dma_start3A_62] : memref<32x50x128xi32, #tpu.memory_space<hbm>> -> memref<1x50x128xi32, #tpu.memory_space<hbm>>
      %dma_start3A_64 = tpu.memref_squeeze %dma_start3A_63 : memref<1x50x128xi32, #tpu.memory_space<hbm>> -> memref<50x128xi32, #tpu.memory_space<hbm>>
      %dma_start3A_65 = arith.constant 0 : i32
      %dma_start3A_66 = arith.constant 0 : i32
      %dma_start3A_67 = tpu.memref_slice %arg2[%add3A, %dma_start3A_65, %dma_start3A_66] : memref<32x50x128xi32, #tpu.memory_space<hbm>> -> memref<1x50x128xi32, #tpu.memory_space<hbm>>
      %dma_start3A_68 = tpu.memref_squeeze %dma_start3A_67 : memref<1x50x128xi32, #tpu.memory_space<hbm>> -> memref<50x128xi32, #tpu.memory_space<hbm>>
      tpu.enqueue_dma source(%dma_start3A_68 : memref<50x128xi32, #tpu.memory_space<hbm>>) target(%arg5 : memref<50x128xi32, #tpu.memory_space<vmem>>) target_semaphore(%run_scoped3A : memref<!tpu.dma_semaphore, #tpu.memory_space<semaphore_mem>>)
      %dma_wait3A_69 = arith.constant 0 : i32
      %dma_wait3A_70 = arith.constant 0 : i32
      %dma_wait3A_71 = tpu.memref_slice %arg2[%add3A, %dma_wait3A_69, %dma_wait3A_70] : memref<32x50x128xi32, #tpu.memory_space<hbm>> -> memref<1x50x128xi32, #tpu.memory_space<hbm>>
      %dma_wait3A_72 = tpu.memref_squeeze %dma_wait3A_71 : memref<1x50x128xi32, #tpu.memory_space<hbm>> -> memref<50x128xi32, #tpu.memory_space<hbm>>
      %dma_wait3A_73 = arith.constant 0 : i32
      %dma_wait3A_74 = arith.constant 0 : i32
      %dma_wait3A_75 = tpu.memref_slice %arg2[%add3A, %dma_wait3A_73, %dma_wait3A_74] : memref<32x50x128xi32, #tpu.memory_space<hbm>> -> memref<1x50x128xi32, #tpu.memory_space<hbm>>
      %dma_wait3A_76 = tpu.memref_squeeze %dma_wait3A_75 : memref<1x50x128xi32, #tpu.memory_space<hbm>> -> memref<50x128xi32, #tpu.memory_space<hbm>>
      tpu.wait_dma2 semaphore(%run_scoped3A : memref<!tpu.dma_semaphore, #tpu.memory_space<semaphore_mem>>) src(%dma_wait3A_76 : memref<50x128xi32, #tpu.memory_space<hbm>>) dst(%arg5 : memref<50x128xi32, #tpu.memory_space<vmem>>)
      tpu.yield
    }) : () -> ()
    %mul3A_1 = arith.constant 6400 : i32
    %mul3A_2 = arith.muli %add3A, %mul3A_1 : i32
    %multiple_of3A = tpu.assume_multiple %mul3A_2, 128 : i32
    %dma_start3A = arith.constant 0 : i32
    %dma_start3A_3 = arith.constant 0 : i32
    %dma_start3A_4 = arith.constant 0 : i32
    %dma_start3A_5 = arith.constant 0 : i32
    %dma_start3A_6 = tpu.memref_slice %arg6[%dma_start3A_3, %dma_start3A_4, %dma_start3A_5] : memref<2x128x128xf32, #tpu.memory_space<vmem>> -> memref<1x128x128xf32, #tpu.memory_space<vmem>>
    %dma_start3A_7 = tpu.memref_squeeze %dma_start3A_6 : memref<1x128x128xf32, #tpu.memory_space<vmem>> -> memref<128x128xf32, #tpu.memory_space<vmem>>
    %dma_start3A_8 = arith.constant 0 : i32
    %dma_start3A_9 = tpu.memref_slice %arg5[%dma_start3A, %dma_start3A_8] : memref<50x128xi32, #tpu.memory_space<vmem>> -> memref<1x128xi32, #tpu.memory_space<vmem>>
    %dma_start3A_10 = tpu.memref_squeeze %dma_start3A_9 : memref<1x128xi32, #tpu.memory_space<vmem>> -> memref<128xi32, #tpu.memory_space<vmem>>
    %dma_start3A_11 = arith.constant 0 : i32
    %dma_start3A_12 = arith.constant 0 : i32
    %dma_start3A_13 = tpu.memref_slice %arg3[%dma_start3A_11, %dma_start3A_12] : memref<1000000x128xf32, #tpu.memory_space<hbm>> -> memref<1000000x128xf32, #tpu.memory_space<hbm>>
    tpu.enqueue_indirect_dma source(%dma_start3A_13 : memref<1000000x128xf32, #tpu.memory_space<hbm>>) target(%dma_start3A_7 : memref<128x128xf32, #tpu.memory_space<vmem>>) offsets(%dma_start3A_10 : memref<128xi32, #tpu.memory_space<vmem>>) semaphore(%arg8 : memref<!tpu.dma_semaphore, #tpu.memory_space<semaphore_mem>>)
    %dma_start3A_14 = arith.constant 1 : i32
    %dma_start3A_15 = arith.constant 1 : i32
    %dma_start3A_16 = arith.constant 0 : i32
    %dma_start3A_17 = arith.constant 0 : i32
    %dma_start3A_18 = tpu.memref_slice %arg6[%dma_start3A_15, %dma_start3A_16, %dma_start3A_17] : memref<2x128x128xf32, #tpu.memory_space<vmem>> -> memref<1x128x128xf32, #tpu.memory_space<vmem>>
    %dma_start3A_19 = tpu.memref_squeeze %dma_start3A_18 : memref<1x128x128xf32, #tpu.memory_space<vmem>> -> memref<128x128xf32, #tpu.memory_space<vmem>>
    %dma_start3A_20 = arith.constant 0 : i32
    %dma_start3A_21 = tpu.memref_slice %arg5[%dma_start3A_14, %dma_start3A_20] : memref<50x128xi32, #tpu.memory_space<vmem>> -> memref<1x128xi32, #tpu.memory_space<vmem>>
    %dma_start3A_22 = tpu.memref_squeeze %dma_start3A_21 : memref<1x128xi32, #tpu.memory_space<vmem>> -> memref<128xi32, #tpu.memory_space<vmem>>
    %dma_start3A_23 = arith.constant 0 : i32
    %dma_start3A_24 = arith.constant 0 : i32
    %dma_start3A_25 = tpu.memref_slice %arg3[%dma_start3A_23, %dma_start3A_24] : memref<1000000x128xf32, #tpu.memory_space<hbm>> -> memref<1000000x128xf32, #tpu.memory_space<hbm>>
    tpu.enqueue_indirect_dma source(%dma_start3A_25 : memref<1000000x128xf32, #tpu.memory_space<hbm>>) target(%dma_start3A_19 : memref<128x128xf32, #tpu.memory_space<vmem>>) offsets(%dma_start3A_22 : memref<128xi32, #tpu.memory_space<vmem>>) semaphore(%arg9 : memref<!tpu.dma_semaphore, #tpu.memory_space<semaphore_mem>>)
    %scan3A = arith.constant 0 : i32
    %scan3A_26 = arith.constant 25 : i32
    %scan3A_27 = arith.addi %scan3A, %scan3A_26 : i32
    %scan3A_28 = arith.constant 1 : i32
    scf.for %scan3A_61 = %scan3A to %scan3A_27 step %scan3A_28  : i32 {
      %mul3A_62 = arith.constant 1 : i32
      %mul3A_63 = arith.muli %scan3A_61, %mul3A_62 : i32
      %add3A_64 = arith.constant 0 : i32
      %add3A_65 = arith.addi %add3A_64, %mul3A_63 : i32
      %mul3A_66 = arith.constant 2 : i32
      %mul3A_67 = arith.muli %mul3A_66, %add3A_65 : i32
      %add3A_68 = arith.constant 0 : i32
      %add3A_69 = arith.addi %mul3A_67, %add3A_68 : i32
      %dma_wait3A_70 = arith.constant 0 : i32
      %dma_wait3A_71 = arith.constant 0 : i32
      %dma_wait3A_72 = arith.constant 0 : i32
      %dma_wait3A_73 = tpu.memref_slice %arg6[%dma_wait3A_70, %dma_wait3A_71, %dma_wait3A_72] : memref<2x128x128xf32, #tpu.memory_space<vmem>> -> memref<1x128x128xf32, #tpu.memory_space<vmem>>
      %dma_wait3A_74 = tpu.memref_squeeze %dma_wait3A_73 : memref<1x128x128xf32, #tpu.memory_space<vmem>> -> memref<128x128xf32, #tpu.memory_space<vmem>>
      %dma_wait3A_75 = arith.constant 0 : i32
      %dma_wait3A_76 = tpu.memref_slice %arg5[%add3A_69, %dma_wait3A_75] : memref<50x128xi32, #tpu.memory_space<vmem>> -> memref<1x128xi32, #tpu.memory_space<vmem>>
      %dma_wait3A_77 = tpu.memref_squeeze %dma_wait3A_76 : memref<1x128xi32, #tpu.memory_space<vmem>> -> memref<128xi32, #tpu.memory_space<vmem>>
      %dma_wait3A_78 = arith.constant 0 : i32
      %dma_wait3A_79 = arith.constant 0 : i32
      %dma_wait3A_80 = tpu.memref_slice %arg3[%dma_wait3A_78, %dma_wait3A_79] : memref<1000000x128xf32, #tpu.memory_space<hbm>> -> memref<1000000x128xf32, #tpu.memory_space<hbm>>
      tpu.wait_indirect_dma semaphore(%arg8 : memref<!tpu.dma_semaphore, #tpu.memory_space<semaphore_mem>>) src(%dma_wait3A_80 : memref<1000000x128xf32, #tpu.memory_space<hbm>>) dst(%dma_wait3A_74 : memref<128x128xf32, #tpu.memory_space<vmem>>)
      %ge3A = arith.constant 2 : i32
      %ge3A_81 = arith.cmpi sge, %add3A_69, %ge3A : i32
      %convert_element_type3A = arith.extui %ge3A_81 : i1 to i32
      %cond3A = arith.constant 0 : i32
      %cond3A_82 = arith.cmpi ne, %convert_element_type3A, %cond3A : i32
      scf.if %cond3A_82 {
        %sub3A = arith.constant 2 : i32
        %sub3A_159 = arith.subi %add3A_69, %sub3A : i32
        %mul3A_160 = arith.constant 128 : i32
        %mul3A_161 = arith.muli %sub3A_159, %mul3A_160 : i32
        %add3A_162 = arith.addi %multiple_of3A, %mul3A_161 : i32
        %multiple_of3A_163 = tpu.assume_multiple %add3A_162, 128 : i32
        %dma_wait3A_164 = arith.constant 0 : i32
        %dma_wait3A_165 = arith.constant 0 : i32
        %dma_wait3A_166 = arith.constant 0 : i32
        %dma_wait3A_167 = tpu.memref_slice %arg7[%dma_wait3A_164, %dma_wait3A_165, %dma_wait3A_166] : memref<2x128x64xf32, #tpu.memory_space<vmem>> -> memref<1x128x64xf32, #tpu.memory_space<vmem>>
        %dma_wait3A_168 = tpu.memref_squeeze %dma_wait3A_167 : memref<1x128x64xf32, #tpu.memory_space<vmem>> -> memref<128x64xf32, #tpu.memory_space<vmem>>
        %dma_wait3A_169 = arith.constant 0 : i32
        %dma_wait3A_170 = tpu.memref_slice %arg4[%multiple_of3A_163, %dma_wait3A_169] : memref<204800x64xf32, #tpu.memory_space<hbm>> -> memref<128x64xf32, #tpu.memory_space<hbm>>
        %dma_wait3A_171 = arith.constant 0 : i32
        %dma_wait3A_172 = tpu.memref_slice %arg4[%multiple_of3A_163, %dma_wait3A_171] : memref<204800x64xf32, #tpu.memory_space<hbm>> -> memref<128x64xf32, #tpu.memory_space<hbm>>
        %dma_wait3A_173 = arith.constant 0 : i32
        %dma_wait3A_174 = arith.constant 0 : i32
        %dma_wait3A_175 = tpu.memref_slice %arg7[%dma_wait3A_164, %dma_wait3A_173, %dma_wait3A_174] : memref<2x128x64xf32, #tpu.memory_space<vmem>> -> memref<1x128x64xf32, #tpu.memory_space<vmem>>
        %dma_wait3A_176 = tpu.memref_squeeze %dma_wait3A_175 : memref<1x128x64xf32, #tpu.memory_space<vmem>> -> memref<128x64xf32, #tpu.memory_space<vmem>>
        tpu.wait_dma2 semaphore(%arg10 : memref<!tpu.dma_semaphore, #tpu.memory_space<semaphore_mem>>) src(%dma_wait3A_176 : memref<128x64xf32, #tpu.memory_space<vmem>>) dst(%dma_wait3A_172 : memref<128x64xf32, #tpu.memory_space<hbm>>)
      } else {
      }
      %parallel_loop3A = arith.constant 0 : i32
      %parallel_loop3A_83 = arith.constant 128 : i32
      %parallel_loop3A_84 = arith.constant 1 : i32
      %parallel_loop3A_85 = arith.constant 0 : i32
      %parallel_loop3A_86 = arith.constant 0 : i32
      scf.for %parallel_loop3A_159 = %parallel_loop3A to %parallel_loop3A_83 step %parallel_loop3A_84  : i32 {
        %parallel_loop3A_160 = arith.constant 0 : i32
        %parallel_loop3A_161 = arith.constant 0 : i32
        %parallel_loop3A_162 = tpu.memref_slice %arg6[%parallel_loop3A_85, %parallel_loop3A_160, %parallel_loop3A_161] : memref<2x128x128xf32, #tpu.memory_space<vmem>> -> memref<1x128x128xf32, #tpu.memory_space<vmem>>
        %parallel_loop3A_163 = tpu.memref_squeeze %parallel_loop3A_162 : memref<1x128x128xf32, #tpu.memory_space<vmem>> -> memref<128x128xf32, #tpu.memory_space<vmem>>
        %parallel_loop3A_164 = arith.index_cast %parallel_loop3A_159 : i32 to index
        %parallel_loop3A_165 = arith.constant 0 : index
        %parallel_loop3A_166 = tpu.vector_load %parallel_loop3A_163[%parallel_loop3A_164, %parallel_loop3A_165] {strides = array<i32>} : memref<128x128xf32, #tpu.memory_space<vmem>>, vector<1x16xf32>,
        %parallel_loop3A_167 = vector.shape_cast %parallel_loop3A_166 : vector<1x16xf32> to vector<16xf32>
        %parallel_loop3A_168 = arith.constant 8.000000e+00 : f32
        %parallel_loop3A_169 = vector.broadcast %parallel_loop3A_168 : f32 to vector<16xf32>
        %parallel_loop3A_170 = arith.mulf %parallel_loop3A_167, %parallel_loop3A_169 : vector<16xf32>
        %parallel_loop3A_171 = arith.constant 0 : i32
        %parallel_loop3A_172 = arith.constant 0 : i32
        %parallel_loop3A_173 = tpu.memref_slice %arg7[%parallel_loop3A_86, %parallel_loop3A_171, %parallel_loop3A_172] : memref<2x128x64xf32, #tpu.memory_space<vmem>> -> memref<1x128x64xf32, #tpu.memory_space<vmem>>
        %parallel_loop3A_174 = tpu.memref_squeeze %parallel_loop3A_173 : memref<1x128x64xf32, #tpu.memory_space<vmem>> -> memref<128x64xf32, #tpu.memory_space<vmem>>
        %parallel_loop3A_175 = arith.index_cast %parallel_loop3A_159 : i32 to index
        %parallel_loop3A_176 = arith.constant 0 : index
        %parallel_loop3A_177 = tpu.vector_load %parallel_loop3A_174[%parallel_loop3A_175, %parallel_loop3A_176] {strides = array<i32>} : memref<128x64xf32, #tpu.memory_space<vmem>>, vector<1x16xf32>,
        %parallel_loop3A_178 = vector.shape_cast %parallel_loop3A_177 : vector<1x16xf32> to vector<16xf32>
        %parallel_loop3A_179 = vector.shape_cast %parallel_loop3A_170 : vector<16xf32> to vector<1x16xf32>
        tpu.vector_store %parallel_loop3A_174[%parallel_loop3A_175, %parallel_loop3A_176], %parallel_loop3A_179 {strides = array<i32>} : memref<128x64xf32, #tpu.memory_space<vmem>>, vector<1x16xf32>,
        %parallel_loop3A_180 = arith.constant 0 : i32
        %parallel_loop3A_181 = arith.constant 0 : i32
        %parallel_loop3A_182 = tpu.memref_slice %arg6[%parallel_loop3A_85, %parallel_loop3A_180, %parallel_loop3A_181] : memref<2x128x128xf32, #tpu.memory_space<vmem>> -> memref<1x128x128xf32, #tpu.memory_space<vmem>>
        %parallel_loop3A_183 = tpu.memref_squeeze %parallel_loop3A_182 : memref<1x128x128xf32, #tpu.memory_space<vmem>> -> memref<128x128xf32, #tpu.memory_space<vmem>>
        %parallel_loop3A_184 = arith.index_cast %parallel_loop3A_159 : i32 to index
        %parallel_loop3A_185 = arith.constant 16 : index
        %parallel_loop3A_186 = tpu.vector_load %parallel_loop3A_183[%parallel_loop3A_184, %parallel_loop3A_185] {strides = array<i32>} : memref<128x128xf32, #tpu.memory_space<vmem>>, vector<1x16xf32>,
        %parallel_loop3A_187 = vector.shape_cast %parallel_loop3A_186 : vector<1x16xf32> to vector<16xf32>
        %parallel_loop3A_188 = arith.constant 8.000000e+00 : f32
        %parallel_loop3A_189 = vector.broadcast %parallel_loop3A_188 : f32 to vector<16xf32>
        %parallel_loop3A_190 = arith.mulf %parallel_loop3A_187, %parallel_loop3A_189 : vector<16xf32>
        %parallel_loop3A_191 = arith.constant 0 : i32
        %parallel_loop3A_192 = arith.constant 0 : i32
        %parallel_loop3A_193 = tpu.memref_slice %arg7[%parallel_loop3A_86, %parallel_loop3A_191, %parallel_loop3A_192] : memref<2x128x64xf32, #tpu.memory_space<vmem>> -> memref<1x128x64xf32, #tpu.memory_space<vmem>>
        %parallel_loop3A_194 = tpu.memref_squeeze %parallel_loop3A_193 : memref<1x128x64xf32, #tpu.memory_space<vmem>> -> memref<128x64xf32, #tpu.memory_space<vmem>>
        %parallel_loop3A_195 = arith.index_cast %parallel_loop3A_159 : i32 to index
        %parallel_loop3A_196 = arith.constant 16 : index
        %parallel_loop3A_197 = tpu.vector_load %parallel_loop3A_194[%parallel_loop3A_195, %parallel_loop3A_196] {strides = array<i32>} : memref<128x64xf32, #tpu.memory_space<vmem>>, vector<1x16xf32>,
        %parallel_loop3A_198 = vector.shape_cast %parallel_loop3A_197 : vector<1x16xf32> to vector<16xf32>
        %parallel_loop3A_199 = vector.shape_cast %parallel_loop3A_190 : vector<16xf32> to vector<1x16xf32>
        tpu.vector_store %parallel_loop3A_194[%parallel_loop3A_195, %parallel_loop3A_196], %parallel_loop3A_199 {strides = array<i32>} : memref<128x64xf32, #tpu.memory_space<vmem>>, vector<1x16xf32>,
        %parallel_loop3A_200 = arith.constant 0 : i32
        %parallel_loop3A_201 = arith.constant 0 : i32
        %parallel_loop3A_202 = tpu.memref_slice %arg6[%parallel_loop3A_85, %parallel_loop3A_200, %parallel_loop3A_201] : memref<2x128x128xf32, #tpu.memory_space<vmem>> -> memref<1x128x128xf32, #tpu.memory_space<vmem>>
        %parallel_loop3A_203 = tpu.memref_squeeze %parallel_loop3A_202 : memref<1x128x128xf32, #tpu.memory_space<vmem>> -> memref<128x128xf32, #tpu.memory_space<vmem>>
        %parallel_loop3A_204 = arith.index_cast %parallel_loop3A_159 : i32 to index
        %parallel_loop3A_205 = arith.constant 32 : index
        %parallel_loop3A_206 = tpu.vector_load %parallel_loop3A_203[%parallel_loop3A_204, %parallel_loop3A_205] {strides = array<i32>} : memref<128x128xf32, #tpu.memory_space<vmem>>, vector<1x16xf32>,
        %parallel_loop3A_207 = vector.shape_cast %parallel_loop3A_206 : vector<1x16xf32> to vector<16xf32>
        %parallel_loop3A_208 = arith.constant 8.000000e+00 : f32
        %parallel_loop3A_209 = vector.broadcast %parallel_loop3A_208 : f32 to vector<16xf32>
        %parallel_loop3A_210 = arith.mulf %parallel_loop3A_207, %parallel_loop3A_209 : vector<16xf32>
        %parallel_loop3A_211 = arith.constant 0 : i32
        %parallel_loop3A_212 = arith.constant 0 : i32
        %parallel_loop3A_213 = tpu.memref_slice %arg7[%parallel_loop3A_86, %parallel_loop3A_211, %parallel_loop3A_212] : memref<2x128x64xf32, #tpu.memory_space<vmem>> -> memref<1x128x64xf32, #tpu.memory_space<vmem>>
        %parallel_loop3A_214 = tpu.memref_squeeze %parallel_loop3A_213 : memref<1x128x64xf32, #tpu.memory_space<vmem>> -> memref<128x64xf32, #tpu.memory_space<vmem>>
        %parallel_loop3A_215 = arith.index_cast %parallel_loop3A_159 : i32 to index
        %parallel_loop3A_216 = arith.constant 32 : index
        %parallel_loop3A_217 = tpu.vector_load %parallel_loop3A_214[%parallel_loop3A_215, %parallel_loop3A_216] {strides = array<i32>} : memref<128x64xf32, #tpu.memory_space<vmem>>, vector<1x16xf32>,
        %parallel_loop3A_218 = vector.shape_cast %parallel_loop3A_217 : vector<1x16xf32> to vector<16xf32>
        %parallel_loop3A_219 = vector.shape_cast %parallel_loop3A_210 : vector<16xf32> to vector<1x16xf32>
        tpu.vector_store %parallel_loop3A_214[%parallel_loop3A_215, %parallel_loop3A_216], %parallel_loop3A_219 {strides = array<i32>} : memref<128x64xf32, #tpu.memory_space<vmem>>, vector<1x16xf32>,
        %parallel_loop3A_220 = arith.constant 0 : i32
        %parallel_loop3A_221 = arith.constant 0 : i32
        %parallel_loop3A_222 = tpu.memref_slice %arg6[%parallel_loop3A_85, %parallel_loop3A_220, %parallel_loop3A_221] : memref<2x128x128xf32, #tpu.memory_space<vmem>> -> memref<1x128x128xf32, #tpu.memory_space<vmem>>
        %parallel_loop3A_223 = tpu.memref_squeeze %parallel_loop3A_222 : memref<1x128x128xf32, #tpu.memory_space<vmem>> -> memref<128x128xf32, #tpu.memory_space<vmem>>
        %parallel_loop3A_224 = arith.index_cast %parallel_loop3A_159 : i32 to index
        %parallel_loop3A_225 = arith.constant 48 : index
        %parallel_loop3A_226 = tpu.vector_load %parallel_loop3A_223[%parallel_loop3A_224, %parallel_loop3A_225] {strides = array<i32>} : memref<128x128xf32, #tpu.memory_space<vmem>>, vector<1x16xf32>,
        %parallel_loop3A_227 = vector.shape_cast %parallel_loop3A_226 : vector<1x16xf32> to vector<16xf32>
        %parallel_loop3A_228 = arith.constant 8.000000e+00 : f32
        %parallel_loop3A_229 = vector.broadcast %parallel_loop3A_228 : f32 to vector<16xf32>
        %parallel_loop3A_230 = arith.mulf %parallel_loop3A_227, %parallel_loop3A_229 : vector<16xf32>
        %parallel_loop3A_231 = arith.constant 0 : i32
        %parallel_loop3A_232 = arith.constant 0 : i32
        %parallel_loop3A_233 = tpu.memref_slice %arg7[%parallel_loop3A_86, %parallel_loop3A_231, %parallel_loop3A_232] : memref<2x128x64xf32, #tpu.memory_space<vmem>> -> memref<1x128x64xf32, #tpu.memory_space<vmem>>
        %parallel_loop3A_234 = tpu.memref_squeeze %parallel_loop3A_233 : memref<1x128x64xf32, #tpu.memory_space<vmem>> -> memref<128x64xf32, #tpu.memory_space<vmem>>
        %parallel_loop3A_235 = arith.index_cast %parallel_loop3A_159 : i32 to index
        %parallel_loop3A_236 = arith.constant 48 : index
        %parallel_loop3A_237 = tpu.vector_load %parallel_loop3A_234[%parallel_loop3A_235, %parallel_loop3A_236] {strides = array<i32>} : memref<128x64xf32, #tpu.memory_space<vmem>>, vector<1x16xf32>,
        %parallel_loop3A_238 = vector.shape_cast %parallel_loop3A_237 : vector<1x16xf32> to vector<16xf32>
        %parallel_loop3A_239 = vector.shape_cast %parallel_loop3A_230 : vector<16xf32> to vector<1x16xf32>
        tpu.vector_store %parallel_loop3A_234[%parallel_loop3A_235, %parallel_loop3A_236], %parallel_loop3A_239 {strides = array<i32>} : memref<128x64xf32, #tpu.memory_space<vmem>>, vector<1x16xf32>,
      } {sc.loop_unroll_factor = 4 : i64, sc.parallel_access}
      %mul3A_87 = arith.constant 128 : i32
      %mul3A_88 = arith.muli %add3A_69, %mul3A_87 : i32
      %add3A_89 = arith.addi %multiple_of3A, %mul3A_88 : i32
      %multiple_of3A_90 = tpu.assume_multiple %add3A_89, 128 : i32
      %dma_start3A_91 = arith.constant 0 : i32
      %dma_start3A_92 = arith.constant 0 : i32
      %dma_start3A_93 = arith.constant 0 : i32
      %dma_start3A_94 = tpu.memref_slice %arg7[%dma_start3A_91, %dma_start3A_92, %dma_start3A_93] : memref<2x128x64xf32, #tpu.memory_space<vmem>> -> memref<1x128x64xf32, #tpu.memory_space<vmem>>
      %dma_start3A_95 = tpu.memref_squeeze %dma_start3A_94 : memref<1x128x64xf32, #tpu.memory_space<vmem>> -> memref<128x64xf32, #tpu.memory_space<vmem>>
      %dma_start3A_96 = arith.constant 0 : i32
      %dma_start3A_97 = tpu.memref_slice %arg4[%multiple_of3A_90, %dma_start3A_96] : memref<204800x64xf32, #tpu.memory_space<hbm>> -> memref<128x64xf32, #tpu.memory_space<hbm>>
      %dma_start3A_98 = arith.constant 0 : i32
      %dma_start3A_99 = tpu.memref_slice %arg4[%multiple_of3A_90, %dma_start3A_98] : memref<204800x64xf32, #tpu.memory_space<hbm>> -> memref<128x64xf32, #tpu.memory_space<hbm>>
      %dma_start3A_100 = arith.constant 0 : i32
      %dma_start3A_101 = arith.constant 0 : i32
      %dma_start3A_102 = tpu.memref_slice %arg7[%dma_start3A_91, %dma_start3A_100, %dma_start3A_101] : memref<2x128x64xf32, #tpu.memory_space<vmem>> -> memref<1x128x64xf32, #tpu.memory_space<vmem>>
      %dma_start3A_103 = tpu.memref_squeeze %dma_start3A_102 : memref<1x128x64xf32, #tpu.memory_space<vmem>> -> memref<128x64xf32, #tpu.memory_space<vmem>>
      tpu.enqueue_dma source(%dma_start3A_103 : memref<128x64xf32, #tpu.memory_space<vmem>>) target(%dma_start3A_99 : memref<128x64xf32, #tpu.memory_space<hbm>>) target_semaphore(%arg10 : memref<!tpu.dma_semaphore, #tpu.memory_space<semaphore_mem>>)
      %add3A_104 = arith.constant 2 : i32
      %add3A_105 = arith.addi %add3A_69, %add3A_104 : i32
      %lt3A = arith.constant 50 : i32
      %lt3A_106 = arith.cmpi slt, %add3A_105, %lt3A : i32
      %convert_element_type3A_107 = arith.extui %lt3A_106 : i1 to i32
      %cond3A_108 = arith.constant 0 : i32
      %cond3A_109 = arith.cmpi ne, %convert_element_type3A_107, %cond3A_108 : i32
      scf.if %cond3A_109 {
        %add3A_159 = arith.constant 2 : i32
        %add3A_160 = arith.addi %add3A_69, %add3A_159 : i32
        %dma_start3A_161 = arith.constant 0 : i32
        %dma_start3A_162 = arith.constant 0 : i32
        %dma_start3A_163 = arith.constant 0 : i32
        %dma_start3A_164 = tpu.memref_slice %arg6[%dma_start3A_161, %dma_start3A_162, %dma_start3A_163] : memref<2x128x128xf32, #tpu.memory_space<vmem>> -> memref<1x128x128xf32, #tpu.memory_space<vmem>>
        %dma_start3A_165 = tpu.memref_squeeze %dma_start3A_164 : memref<1x128x128xf32, #tpu.memory_space<vmem>> -> memref<128x128xf32, #tpu.memory_space<vmem>>
        %dma_start3A_166 = arith.constant 0 : i32
        %dma_start3A_167 = tpu.memref_slice %arg5[%add3A_160, %dma_start3A_166] : memref<50x128xi32, #tpu.memory_space<vmem>> -> memref<1x128xi32, #tpu.memory_space<vmem>>
        %dma_start3A_168 = tpu.memref_squeeze %dma_start3A_167 : memref<1x128xi32, #tpu.memory_space<vmem>> -> memref<128xi32, #tpu.memory_space<vmem>>
        %dma_start3A_169 = arith.constant 0 : i32
        %dma_start3A_170 = arith.constant 0 : i32
        %dma_start3A_171 = tpu.memref_slice %arg3[%dma_start3A_169, %dma_start3A_170] : memref<1000000x128xf32, #tpu.memory_space<hbm>> -> memref<1000000x128xf32, #tpu.memory_space<hbm>>
        tpu.enqueue_indirect_dma source(%dma_start3A_171 : memref<1000000x128xf32, #tpu.memory_space<hbm>>) target(%dma_start3A_165 : memref<128x128xf32, #tpu.memory_space<vmem>>) offsets(%dma_start3A_168 : memref<128xi32, #tpu.memory_space<vmem>>) semaphore(%arg8 : memref<!tpu.dma_semaphore, #tpu.memory_space<semaphore_mem>>)
      } else {
      }
      %mul3A_110 = arith.constant 2 : i32
      %mul3A_111 = arith.muli %mul3A_110, %add3A_65 : i32
      %add3A_112 = arith.constant 1 : i32
      %add3A_113 = arith.addi %mul3A_111, %add3A_112 : i32
      %dma_wait3A_114 = arith.constant 1 : i32
      %dma_wait3A_115 = arith.constant 0 : i32
      %dma_wait3A_116 = arith.constant 0 : i32
      %dma_wait3A_117 = tpu.memref_slice %arg6[%dma_wait3A_114, %dma_wait3A_115, %dma_wait3A_116] : memref<2x128x128xf32, #tpu.memory_space<vmem>> -> memref<1x128x128xf32, #tpu.memory_space<vmem>>
      %dma_wait3A_118 = tpu.memref_squeeze %dma_wait3A_117 : memref<1x128x128xf32, #tpu.memory_space<vmem>> -> memref<128x128xf32, #tpu.memory_space<vmem>>
      %dma_wait3A_119 = arith.constant 0 : i32
      %dma_wait3A_120 = tpu.memref_slice %arg5[%add3A_113, %dma_wait3A_119] : memref<50x128xi32, #tpu.memory_space<vmem>> -> memref<1x128xi32, #tpu.memory_space<vmem>>
      %dma_wait3A_121 = tpu.memref_squeeze %dma_wait3A_120 : memref<1x128xi32, #tpu.memory_space<vmem>> -> memref<128xi32, #tpu.memory_space<vmem>>
      %dma_wait3A_122 = arith.constant 0 : i32
      %dma_wait3A_123 = arith.constant 0 : i32
      %dma_wait3A_124 = tpu.memref_slice %arg3[%dma_wait3A_122, %dma_wait3A_123] : memref<1000000x128xf32, #tpu.memory_space<hbm>> -> memref<1000000x128xf32, #tpu.memory_space<hbm>>
      tpu.wait_indirect_dma semaphore(%arg9 : memref<!tpu.dma_semaphore, #tpu.memory_space<semaphore_mem>>) src(%dma_wait3A_124 : memref<1000000x128xf32, #tpu.memory_space<hbm>>) dst(%dma_wait3A_118 : memref<128x128xf32, #tpu.memory_space<vmem>>)
      %ge3A_125 = arith.constant 2 : i32
      %ge3A_126 = arith.cmpi sge, %add3A_113, %ge3A_125 : i32
      %convert_element_type3A_127 = arith.extui %ge3A_126 : i1 to i32
      %cond3A_128 = arith.constant 0 : i32
      %cond3A_129 = arith.cmpi ne, %convert_element_type3A_127, %cond3A_128 : i32
      scf.if %cond3A_129 {
        %sub3A = arith.constant 2 : i32
        %sub3A_159 = arith.subi %add3A_113, %sub3A : i32
        %mul3A_160 = arith.constant 128 : i32
        %mul3A_161 = arith.muli %sub3A_159, %mul3A_160 : i32
        %add3A_162 = arith.addi %multiple_of3A, %mul3A_161 : i32
        %multiple_of3A_163 = tpu.assume_multiple %add3A_162, 128 : i32
        %dma_wait3A_164 = arith.constant 1 : i32
        %dma_wait3A_165 = arith.constant 0 : i32
        %dma_wait3A_166 = arith.constant 0 : i32
        %dma_wait3A_167 = tpu.memref_slice %arg7[%dma_wait3A_164, %dma_wait3A_165, %dma_wait3A_166] : memref<2x128x64xf32, #tpu.memory_space<vmem>> -> memref<1x128x64xf32, #tpu.memory_space<vmem>>
        %dma_wait3A_168 = tpu.memref_squeeze %dma_wait3A_167 : memref<1x128x64xf32, #tpu.memory_space<vmem>> -> memref<128x64xf32, #tpu.memory_space<vmem>>
        %dma_wait3A_169 = arith.constant 0 : i32
        %dma_wait3A_170 = tpu.memref_slice %arg4[%multiple_of3A_163, %dma_wait3A_169] : memref<204800x64xf32, #tpu.memory_space<hbm>> -> memref<128x64xf32, #tpu.memory_space<hbm>>
        %dma_wait3A_171 = arith.constant 0 : i32
        %dma_wait3A_172 = tpu.memref_slice %arg4[%multiple_of3A_163, %dma_wait3A_171] : memref<204800x64xf32, #tpu.memory_space<hbm>> -> memref<128x64xf32, #tpu.memory_space<hbm>>
        %dma_wait3A_173 = arith.constant 0 : i32
        %dma_wait3A_174 = arith.constant 0 : i32
        %dma_wait3A_175 = tpu.memref_slice %arg7[%dma_wait3A_164, %dma_wait3A_173, %dma_wait3A_174] : memref<2x128x64xf32, #tpu.memory_space<vmem>> -> memref<1x128x64xf32, #tpu.memory_space<vmem>>
        %dma_wait3A_176 = tpu.memref_squeeze %dma_wait3A_175 : memref<1x128x64xf32, #tpu.memory_space<vmem>> -> memref<128x64xf32, #tpu.memory_space<vmem>>
        tpu.wait_dma2 semaphore(%arg11 : memref<!tpu.dma_semaphore, #tpu.memory_space<semaphore_mem>>) src(%dma_wait3A_176 : memref<128x64xf32, #tpu.memory_space<vmem>>) dst(%dma_wait3A_172 : memref<128x64xf32, #tpu.memory_space<hbm>>)
      } else {
      }
      %parallel_loop3A_130 = arith.constant 0 : i32
      %parallel_loop3A_131 = arith.constant 128 : i32
      %parallel_loop3A_132 = arith.constant 1 : i32
      %parallel_loop3A_133 = arith.constant 1 : i32
      %parallel_loop3A_134 = arith.constant 1 : i32
      scf.for %parallel_loop3A_159 = %parallel_loop3A_130 to %parallel_loop3A_131 step %parallel_loop3A_132  : i32 {
        %parallel_loop3A_160 = arith.constant 0 : i32
        %parallel_loop3A_161 = arith.constant 0 : i32
        %parallel_loop3A_162 = tpu.memref_slice %arg6[%parallel_loop3A_133, %parallel_loop3A_160, %parallel_loop3A_161] : memref<2x128x128xf32, #tpu.memory_space<vmem>> -> memref<1x128x128xf32, #tpu.memory_space<vmem>>
        %parallel_loop3A_163 = tpu.memref_squeeze %parallel_loop3A_162 : memref<1x128x128xf32, #tpu.memory_space<vmem>> -> memref<128x128xf32, #tpu.memory_space<vmem>>
        %parallel_loop3A_164 = arith.index_cast %parallel_loop3A_159 : i32 to index
        %parallel_loop3A_165 = arith.constant 0 : index
        %parallel_loop3A_166 = tpu.vector_load %parallel_loop3A_163[%parallel_loop3A_164, %parallel_loop3A_165] {strides = array<i32>} : memref<128x128xf32, #tpu.memory_space<vmem>>, vector<1x16xf32>,
        %parallel_loop3A_167 = vector.shape_cast %parallel_loop3A_166 : vector<1x16xf32> to vector<16xf32>
        %parallel_loop3A_168 = arith.constant 8.000000e+00 : f32
        %parallel_loop3A_169 = vector.broadcast %parallel_loop3A_168 : f32 to vector<16xf32>
        %parallel_loop3A_170 = arith.mulf %parallel_loop3A_167, %parallel_loop3A_169 : vector<16xf32>
        %parallel_loop3A_171 = arith.constant 0 : i32
        %parallel_loop3A_172 = arith.constant 0 : i32
        %parallel_loop3A_173 = tpu.memref_slice %arg7[%parallel_loop3A_134, %parallel_loop3A_171, %parallel_loop3A_172] : memref<2x128x64xf32, #tpu.memory_space<vmem>> -> memref<1x128x64xf32, #tpu.memory_space<vmem>>
        %parallel_loop3A_174 = tpu.memref_squeeze %parallel_loop3A_173 : memref<1x128x64xf32, #tpu.memory_space<vmem>> -> memref<128x64xf32, #tpu.memory_space<vmem>>
        %parallel_loop3A_175 = arith.index_cast %parallel_loop3A_159 : i32 to index
        %parallel_loop3A_176 = arith.constant 0 : index
        %parallel_loop3A_177 = tpu.vector_load %parallel_loop3A_174[%parallel_loop3A_175, %parallel_loop3A_176] {strides = array<i32>} : memref<128x64xf32, #tpu.memory_space<vmem>>, vector<1x16xf32>,
        %parallel_loop3A_178 = vector.shape_cast %parallel_loop3A_177 : vector<1x16xf32> to vector<16xf32>
        %parallel_loop3A_179 = vector.shape_cast %parallel_loop3A_170 : vector<16xf32> to vector<1x16xf32>
        tpu.vector_store %parallel_loop3A_174[%parallel_loop3A_175, %parallel_loop3A_176], %parallel_loop3A_179 {strides = array<i32>} : memref<128x64xf32, #tpu.memory_space<vmem>>, vector<1x16xf32>,
        %parallel_loop3A_180 = arith.constant 0 : i32
        %parallel_loop3A_181 = arith.constant 0 : i32
        %parallel_loop3A_182 = tpu.memref_slice %arg6[%parallel_loop3A_133, %parallel_loop3A_180, %parallel_loop3A_181] : memref<2x128x128xf32, #tpu.memory_space<vmem>> -> memref<1x128x128xf32, #tpu.memory_space<vmem>>
        %parallel_loop3A_183 = tpu.memref_squeeze %parallel_loop3A_182 : memref<1x128x128xf32, #tpu.memory_space<vmem>> -> memref<128x128xf32, #tpu.memory_space<vmem>>
        %parallel_loop3A_184 = arith.index_cast %parallel_loop3A_159 : i32 to index
        %parallel_loop3A_185 = arith.constant 16 : index
        %parallel_loop3A_186 = tpu.vector_load %parallel_loop3A_183[%parallel_loop3A_184, %parallel_loop3A_185] {strides = array<i32>} : memref<128x128xf32, #tpu.memory_space<vmem>>, vector<1x16xf32>,
        %parallel_loop3A_187 = vector.shape_cast %parallel_loop3A_186 : vector<1x16xf32> to vector<16xf32>
        %parallel_loop3A_188 = arith.constant 8.000000e+00 : f32
        %parallel_loop3A_189 = vector.broadcast %parallel_loop3A_188 : f32 to vector<16xf32>
        %parallel_loop3A_190 = arith.mulf %parallel_loop3A_187, %parallel_loop3A_189 : vector<16xf32>
        %parallel_loop3A_191 = arith.constant 0 : i32
        %parallel_loop3A_192 = arith.constant 0 : i32
        %parallel_loop3A_193 = tpu.memref_slice %arg7[%parallel_loop3A_134, %parallel_loop3A_191, %parallel_loop3A_192] : memref<2x128x64xf32, #tpu.memory_space<vmem>> -> memref<1x128x64xf32, #tpu.memory_space<vmem>>
        %parallel_loop3A_194 = tpu.memref_squeeze %parallel_loop3A_193 : memref<1x128x64xf32, #tpu.memory_space<vmem>> -> memref<128x64xf32, #tpu.memory_space<vmem>>
        %parallel_loop3A_195 = arith.index_cast %parallel_loop3A_159 : i32 to index
        %parallel_loop3A_196 = arith.constant 16 : index
        %parallel_loop3A_197 = tpu.vector_load %parallel_loop3A_194[%parallel_loop3A_195, %parallel_loop3A_196] {strides = array<i32>} : memref<128x64xf32, #tpu.memory_space<vmem>>, vector<1x16xf32>,
        %parallel_loop3A_198 = vector.shape_cast %parallel_loop3A_197 : vector<1x16xf32> to vector<16xf32>
        %parallel_loop3A_199 = vector.shape_cast %parallel_loop3A_190 : vector<16xf32> to vector<1x16xf32>
        tpu.vector_store %parallel_loop3A_194[%parallel_loop3A_195, %parallel_loop3A_196], %parallel_loop3A_199 {strides = array<i32>} : memref<128x64xf32, #tpu.memory_space<vmem>>, vector<1x16xf32>,
        %parallel_loop3A_200 = arith.constant 0 : i32
        %parallel_loop3A_201 = arith.constant 0 : i32
        %parallel_loop3A_202 = tpu.memref_slice %arg6[%parallel_loop3A_133, %parallel_loop3A_200, %parallel_loop3A_201] : memref<2x128x128xf32, #tpu.memory_space<vmem>> -> memref<1x128x128xf32, #tpu.memory_space<vmem>>
        %parallel_loop3A_203 = tpu.memref_squeeze %parallel_loop3A_202 : memref<1x128x128xf32, #tpu.memory_space<vmem>> -> memref<128x128xf32, #tpu.memory_space<vmem>>
        %parallel_loop3A_204 = arith.index_cast %parallel_loop3A_159 : i32 to index
        %parallel_loop3A_205 = arith.constant 32 : index
        %parallel_loop3A_206 = tpu.vector_load %parallel_loop3A_203[%parallel_loop3A_204, %parallel_loop3A_205] {strides = array<i32>} : memref<128x128xf32, #tpu.memory_space<vmem>>, vector<1x16xf32>,
        %parallel_loop3A_207 = vector.shape_cast %parallel_loop3A_206 : vector<1x16xf32> to vector<16xf32>
        %parallel_loop3A_208 = arith.constant 8.000000e+00 : f32
        %parallel_loop3A_209 = vector.broadcast %parallel_loop3A_208 : f32 to vector<16xf32>
        %parallel_loop3A_210 = arith.mulf %parallel_loop3A_207, %parallel_loop3A_209 : vector<16xf32>
        %parallel_loop3A_211 = arith.constant 0 : i32
        %parallel_loop3A_212 = arith.constant 0 : i32
        %parallel_loop3A_213 = tpu.memref_slice %arg7[%parallel_loop3A_134, %parallel_loop3A_211, %parallel_loop3A_212] : memref<2x128x64xf32, #tpu.memory_space<vmem>> -> memref<1x128x64xf32, #tpu.memory_space<vmem>>
        %parallel_loop3A_214 = tpu.memref_squeeze %parallel_loop3A_213 : memref<1x128x64xf32, #tpu.memory_space<vmem>> -> memref<128x64xf32, #tpu.memory_space<vmem>>
        %parallel_loop3A_215 = arith.index_cast %parallel_loop3A_159 : i32 to index
        %parallel_loop3A_216 = arith.constant 32 : index
        %parallel_loop3A_217 = tpu.vector_load %parallel_loop3A_214[%parallel_loop3A_215, %parallel_loop3A_216] {strides = array<i32>} : memref<128x64xf32, #tpu.memory_space<vmem>>, vector<1x16xf32>,
        %parallel_loop3A_218 = vector.shape_cast %parallel_loop3A_217 : vector<1x16xf32> to vector<16xf32>
        %parallel_loop3A_219 = vector.shape_cast %parallel_loop3A_210 : vector<16xf32> to vector<1x16xf32>
        tpu.vector_store %parallel_loop3A_214[%parallel_loop3A_215, %parallel_loop3A_216], %parallel_loop3A_219 {strides = array<i32>} : memref<128x64xf32, #tpu.memory_space<vmem>>, vector<1x16xf32>,
        %parallel_loop3A_220 = arith.constant 0 : i32
        %parallel_loop3A_221 = arith.constant 0 : i32
        %parallel_loop3A_222 = tpu.memref_slice %arg6[%parallel_loop3A_133, %parallel_loop3A_220, %parallel_loop3A_221] : memref<2x128x128xf32, #tpu.memory_space<vmem>> -> memref<1x128x128xf32, #tpu.memory_space<vmem>>
        %parallel_loop3A_223 = tpu.memref_squeeze %parallel_loop3A_222 : memref<1x128x128xf32, #tpu.memory_space<vmem>> -> memref<128x128xf32, #tpu.memory_space<vmem>>
        %parallel_loop3A_224 = arith.index_cast %parallel_loop3A_159 : i32 to index
        %parallel_loop3A_225 = arith.constant 48 : index
        %parallel_loop3A_226 = tpu.vector_load %parallel_loop3A_223[%parallel_loop3A_224, %parallel_loop3A_225] {strides = array<i32>} : memref<128x128xf32, #tpu.memory_space<vmem>>, vector<1x16xf32>,
        %parallel_loop3A_227 = vector.shape_cast %parallel_loop3A_226 : vector<1x16xf32> to vector<16xf32>
        %parallel_loop3A_228 = arith.constant 8.000000e+00 : f32
        %parallel_loop3A_229 = vector.broadcast %parallel_loop3A_228 : f32 to vector<16xf32>
        %parallel_loop3A_230 = arith.mulf %parallel_loop3A_227, %parallel_loop3A_229 : vector<16xf32>
        %parallel_loop3A_231 = arith.constant 0 : i32
        %parallel_loop3A_232 = arith.constant 0 : i32
        %parallel_loop3A_233 = tpu.memref_slice %arg7[%parallel_loop3A_134, %parallel_loop3A_231, %parallel_loop3A_232] : memref<2x128x64xf32, #tpu.memory_space<vmem>> -> memref<1x128x64xf32, #tpu.memory_space<vmem>>
        %parallel_loop3A_234 = tpu.memref_squeeze %parallel_loop3A_233 : memref<1x128x64xf32, #tpu.memory_space<vmem>> -> memref<128x64xf32, #tpu.memory_space<vmem>>
        %parallel_loop3A_235 = arith.index_cast %parallel_loop3A_159 : i32 to index
        %parallel_loop3A_236 = arith.constant 48 : index
        %parallel_loop3A_237 = tpu.vector_load %parallel_loop3A_234[%parallel_loop3A_235, %parallel_loop3A_236] {strides = array<i32>} : memref<128x64xf32, #tpu.memory_space<vmem>>, vector<1x16xf32>,
        %parallel_loop3A_238 = vector.shape_cast %parallel_loop3A_237 : vector<1x16xf32> to vector<16xf32>
        %parallel_loop3A_239 = vector.shape_cast %parallel_loop3A_230 : vector<16xf32> to vector<1x16xf32>
        tpu.vector_store %parallel_loop3A_234[%parallel_loop3A_235, %parallel_loop3A_236], %parallel_loop3A_239 {strides = array<i32>} : memref<128x64xf32, #tpu.memory_space<vmem>>, vector<1x16xf32>,
      } {sc.loop_unroll_factor = 4 : i64, sc.parallel_access}
      %mul3A_135 = arith.constant 128 : i32
      %mul3A_136 = arith.muli %add3A_113, %mul3A_135 : i32
      %add3A_137 = arith.addi %multiple_of3A, %mul3A_136 : i32
      %multiple_of3A_138 = tpu.assume_multiple %add3A_137, 128 : i32
      %dma_start3A_139 = arith.constant 1 : i32
      %dma_start3A_140 = arith.constant 0 : i32
      %dma_start3A_141 = arith.constant 0 : i32
      %dma_start3A_142 = tpu.memref_slice %arg7[%dma_start3A_139, %dma_start3A_140, %dma_start3A_141] : memref<2x128x64xf32, #tpu.memory_space<vmem>> -> memref<1x128x64xf32, #tpu.memory_space<vmem>>
      %dma_start3A_143 = tpu.memref_squeeze %dma_start3A_142 : memref<1x128x64xf32, #tpu.memory_space<vmem>> -> memref<128x64xf32, #tpu.memory_space<vmem>>
      %dma_start3A_144 = arith.constant 0 : i32
      %dma_start3A_145 = tpu.memref_slice %arg4[%multiple_of3A_138, %dma_start3A_144] : memref<204800x64xf32, #tpu.memory_space<hbm>> -> memref<128x64xf32, #tpu.memory_space<hbm>>
      %dma_start3A_146 = arith.constant 0 : i32
      %dma_start3A_147 = tpu.memref_slice %arg4[%multiple_of3A_138, %dma_start3A_146] : memref<204800x64xf32, #tpu.memory_space<hbm>> -> memref<128x64xf32, #tpu.memory_space<hbm>>
      %dma_start3A_148 = arith.constant 0 : i32
      %dma_start3A_149 = arith.constant 0 : i32
      %dma_start3A_150 = tpu.memref_slice %arg7[%dma_start3A_139, %dma_start3A_148, %dma_start3A_149] : memref<2x128x64xf32, #tpu.memory_space<vmem>> -> memref<1x128x64xf32, #tpu.memory_space<vmem>>
      %dma_start3A_151 = tpu.memref_squeeze %dma_start3A_150 : memref<1x128x64xf32, #tpu.memory_space<vmem>> -> memref<128x64xf32, #tpu.memory_space<vmem>>
      tpu.enqueue_dma source(%dma_start3A_151 : memref<128x64xf32, #tpu.memory_space<vmem>>) target(%dma_start3A_147 : memref<128x64xf32, #tpu.memory_space<hbm>>) target_semaphore(%arg11 : memref<!tpu.dma_semaphore, #tpu.memory_space<semaphore_mem>>)
      %add3A_152 = arith.constant 2 : i32
      %add3A_153 = arith.addi %add3A_113, %add3A_152 : i32
      %lt3A_154 = arith.constant 50 : i32
      %lt3A_155 = arith.cmpi slt, %add3A_153, %lt3A_154 : i32
      %convert_element_type3A_156 = arith.extui %lt3A_155 : i1 to i32
      %cond3A_157 = arith.constant 0 : i32
      %cond3A_158 = arith.cmpi ne, %convert_element_type3A_156, %cond3A_157 : i32
      scf.if %cond3A_158 {
        %add3A_159 = arith.constant 2 : i32
        %add3A_160 = arith.addi %add3A_113, %add3A_159 : i32
        %dma_start3A_161 = arith.constant 1 : i32
        %dma_start3A_162 = arith.constant 0 : i32
        %dma_start3A_163 = arith.constant 0 : i32
        %dma_start3A_164 = tpu.memref_slice %arg6[%dma_start3A_161, %dma_start3A_162, %dma_start3A_163] : memref<2x128x128xf32, #tpu.memory_space<vmem>> -> memref<1x128x128xf32, #tpu.memory_space<vmem>>
        %dma_start3A_165 = tpu.memref_squeeze %dma_start3A_164 : memref<1x128x128xf32, #tpu.memory_space<vmem>> -> memref<128x128xf32, #tpu.memory_space<vmem>>
        %dma_start3A_166 = arith.constant 0 : i32
        %dma_start3A_167 = tpu.memref_slice %arg5[%add3A_160, %dma_start3A_166] : memref<50x128xi32, #tpu.memory_space<vmem>> -> memref<1x128xi32, #tpu.memory_space<vmem>>
        %dma_start3A_168 = tpu.memref_squeeze %dma_start3A_167 : memref<1x128xi32, #tpu.memory_space<vmem>> -> memref<128xi32, #tpu.memory_space<vmem>>
        %dma_start3A_169 = arith.constant 0 : i32
        %dma_start3A_170 = arith.constant 0 : i32
        %dma_start3A_171 = tpu.memref_slice %arg3[%dma_start3A_169, %dma_start3A_170] : memref<1000000x128xf32, #tpu.memory_space<hbm>> -> memref<1000000x128xf32, #tpu.memory_space<hbm>>
        tpu.enqueue_indirect_dma source(%dma_start3A_171 : memref<1000000x128xf32, #tpu.memory_space<hbm>>) target(%dma_start3A_165 : memref<128x128xf32, #tpu.memory_space<vmem>>) offsets(%dma_start3A_168 : memref<128xi32, #tpu.memory_space<vmem>>) semaphore(%arg9 : memref<!tpu.dma_semaphore, #tpu.memory_space<semaphore_mem>>)
      } else {
      }
    }
    %scan3A_29 = arith.constant 25 : i32
    %add3A_30 = arith.constant 6144 : i32
    %add3A_31 = arith.addi %multiple_of3A, %add3A_30 : i32
    %multiple_of3A_32 = tpu.assume_multiple %add3A_31, 128 : i32
    %dma_wait3A = arith.constant 0 : i32
    %dma_wait3A_33 = arith.constant 0 : i32
    %dma_wait3A_34 = arith.constant 0 : i32
    %dma_wait3A_35 = tpu.memref_slice %arg7[%dma_wait3A, %dma_wait3A_33, %dma_wait3A_34] : memref<2x128x64xf32, #tpu.memory_space<vmem>> -> memref<1x128x64xf32, #tpu.memory_space<vmem>>
    %dma_wait3A_36 = tpu.memref_squeeze %dma_wait3A_35 : memref<1x128x64xf32, #tpu.memory_space<vmem>> -> memref<128x64xf32, #tpu.memory_space<vmem>>
    %dma_wait3A_37 = arith.constant 0 : i32
    %dma_wait3A_38 = tpu.memref_slice %arg4[%multiple_of3A_32, %dma_wait3A_37] : memref<204800x64xf32, #tpu.memory_space<hbm>> -> memref<128x64xf32, #tpu.memory_space<hbm>>
    %dma_wait3A_39 = arith.constant 0 : i32
    %dma_wait3A_40 = tpu.memref_slice %arg4[%multiple_of3A_32, %dma_wait3A_39] : memref<204800x64xf32, #tpu.memory_space<hbm>> -> memref<128x64xf32, #tpu.memory_space<hbm>>
    %dma_wait3A_41 = arith.constant 0 : i32
    %dma_wait3A_42 = arith.constant 0 : i32
    %dma_wait3A_43 = tpu.memref_slice %arg7[%dma_wait3A, %dma_wait3A_41, %dma_wait3A_42] : memref<2x128x64xf32, #tpu.memory_space<vmem>> -> memref<1x128x64xf32, #tpu.memory_space<vmem>>
    %dma_wait3A_44 = tpu.memref_squeeze %dma_wait3A_43 : memref<1x128x64xf32, #tpu.memory_space<vmem>> -> memref<128x64xf32, #tpu.memory_space<vmem>>
    tpu.wait_dma2 semaphore(%arg10 : memref<!tpu.dma_semaphore, #tpu.memory_space<semaphore_mem>>) src(%dma_wait3A_44 : memref<128x64xf32, #tpu.memory_space<vmem>>) dst(%dma_wait3A_40 : memref<128x64xf32, #tpu.memory_space<hbm>>)
    %add3A_45 = arith.constant 6272 : i32
    %add3A_46 = arith.addi %multiple_of3A, %add3A_45 : i32
    %multiple_of3A_47 = tpu.assume_multiple %add3A_46, 128 : i32
    %dma_wait3A_48 = arith.constant 1 : i32
    %dma_wait3A_49 = arith.constant 0 : i32
    %dma_wait3A_50 = arith.constant 0 : i32
    %dma_wait3A_51 = tpu.memref_slice %arg7[%dma_wait3A_48, %dma_wait3A_49, %dma_wait3A_50] : memref<2x128x64xf32, #tpu.memory_space<vmem>> -> memref<1x128x64xf32, #tpu.memory_space<vmem>>
    %dma_wait3A_52 = tpu.memref_squeeze %dma_wait3A_51 : memref<1x128x64xf32, #tpu.memory_space<vmem>> -> memref<128x64xf32, #tpu.memory_space<vmem>>
    %dma_wait3A_53 = arith.constant 0 : i32
    %dma_wait3A_54 = tpu.memref_slice %arg4[%multiple_of3A_47, %dma_wait3A_53] : memref<204800x64xf32, #tpu.memory_space<hbm>> -> memref<128x64xf32, #tpu.memory_space<hbm>>
    %dma_wait3A_55 = arith.constant 0 : i32
    %dma_wait3A_56 = tpu.memref_slice %arg4[%multiple_of3A_47, %dma_wait3A_55] : memref<204800x64xf32, #tpu.memory_space<hbm>> -> memref<128x64xf32, #tpu.memory_space<hbm>>
    %dma_wait3A_57 = arith.constant 0 : i32
    %dma_wait3A_58 = arith.constant 0 : i32
    %dma_wait3A_59 = tpu.memref_slice %arg7[%dma_wait3A_48, %dma_wait3A_57, %dma_wait3A_58] : memref<2x128x64xf32, #tpu.memory_space<vmem>> -> memref<1x128x64xf32, #tpu.memory_space<vmem>>
    %dma_wait3A_60 = tpu.memref_squeeze %dma_wait3A_59 : memref<1x128x64xf32, #tpu.memory_space<vmem>> -> memref<128x64xf32, #tpu.memory_space<vmem>>
    tpu.wait_dma2 semaphore(%arg11 : memref<!tpu.dma_semaphore, #tpu.memory_space<semaphore_mem>>) src(%dma_wait3A_60 : memref<128x64xf32, #tpu.memory_space<vmem>>) dst(%dma_wait3A_56 : memref<128x64xf32, #tpu.memory_space<hbm>>)
    return
  }
}

</mosaic_0001>

<sc_bundles>
// kernel: _sc_embed.3.cloned.1.call-start
scs
__scs_entry_jumppad:
0x0: {  	(pc) =	sbr.rel $0x88, $3  }
0x1: {  	(tag) =	ssettag $0x0;
	lr =	simm.s32 $0x1  }
0x2: {  	[smem:$0x3F9F] =	sst lr;
	_ =	strace $0xD0000000  }
0x3: {  	_ = 	snop  }
0x4: {  	_ = 	snop  }
0x5: {  	_ = 	snop  }
0x6: {  	_ = 	snop  }
0x7: {  	_ = 	snop  }
__scs_overlays_trampoline_lowered:
0x8: {  	[smem:$0x3FAE] =	sst s0  }
0x9: {  	[smem:$0x3FAF] =	sst s1  }
0xa: {  	[smem:$0x3FB0] =	sst s2  }
0xb: {  	[smem:$0x3FB1] =	sst s3  }
0xc: {  	[smem:$0x3FB2] =	sst s4  }
0xd: {  	[smem:$0x3FB3] =	sst s5  }
0xe: {  	[smem:$0x3FB4] =	sst s6  }
0xf: {  	[smem:$0x3FB5] =	sst s7  }
0x10: {  	[smem:$0x3FB6] =	sst s8  }
0x11: {  	[smem:$0x3FB7] =	sst s9;
	s0 =	simm.s32 @!p0 $0x0  }
0x12: {  	s1 =	sld [smem:$0x3F9D];
	s0 =	simm.s32 @p0 $0x1  }
0x13: {  	[smem:$0x3FB8] =	sst s0;
	s0 =	simm.s32 @!p1 $0x0  }
0x14: {  	s2 =	sld [smem:$0x3F9C];
	s0 =	simm.s32 @p1 $0x1  }
0x15: {  	[smem:$0x3FB9] =	sst s0;
	s0 =	simm.s32 @!p2 $0x0  }
0x16: {  	s3 =	sld [smem:$0x3FDB];
	s0 =	simm.s32 @p2 $0x1  }
0x17: {  	s4 =	simm.s32 $0x1BF5;
	[smem:$0x3FBB] =	sst s0  }
0x18: {  	s0 =	sld [smem:$0x3F9E];
	_ =	swait.ge [sflag:s4], $0x0  }
0x19: {  	s7 =	sld [smem:$0x3F9F]  }
0x1a: {  	s8 =	sadd.s32 $0xFFFFE003, lr  }
0x1b: {  	s9 =	sadd.s32 $0xFFFFFEF7, lr;
	s5 =	simm.s32 $0xFFFFFFFF;
	p2 =	slt.u32 s8, $0xFFFFF086  }
0x1c: {  	p1 =	slt.u32 s9, $0xF7A;
	s5 =	simm.s32 @!p2 $0x0  }
0x1d: {  	s5 =	simm.s32 @p1 $0x1;
	p0 =	seq.s32 s7, s2  }
0x1e: {  	s7 =	smul.u32 @!p0 $0xF7A, s2;
	p2 =	seq.s32 @!p0 s5, $0x0  }
0x1f: {  	s9 =	smul.u32 $0xF7A, s1;
	s8 =	simm.s32 @!p0 $0x1BF5;
	p2 =	por !p2, p0  }
0x20: {  	[sflag:s8] =	ssyncset.s32 @!p0 $0xFFFFF086;
	s6 =	sadd.s32 @!p0 s3, s7;
	s7 =	simm.s32 @!p0 $0x108  }
0x21: {  	s3 =	sadd.s32 s3, s9;
	s6 =	sadd.s32 @!p0 $0x88, s6;
	s7 =	simm.s32 @p2 $0x1082  }
0x22: {  	[simem:s7], [sflag:s8] =	dma.local @!p0 [hbm:s6], $0xF7A  }
0x23: {  	s9 =	sor.u32 $0xD0000000, s2;
	s6 =	simm.s32 $0x108;
	_ =	swait.ge @!p0 [sflag:s8], $0x0  }
0x24: {  	s3 =	sadd.s32 $0x88, s3;
	s6 =	simm.s32 @!p1 $0x1082;
	[sflag:s4] =	ssyncset.s32 $0xFFFFF086  }
0x25: {  	[simem:s6], [sflag:s4] =	dma.local [hbm:s3], $0xF7A  }
0x26: {  	[smem:$0x3F9F] =	sst s1;
	(tag) =	ssettag s2;
	_ =	strace s9  }
0x27: {  	s1 =	sld [smem:$0x3FAF]  }
0x28: {  	s2 =	sld [smem:$0x3FB0]  }
0x29: {  	s4 =	sld [smem:$0x3FB2]  }
0x2a: {  	p0 =	seq.s32 s5, $0x0;
	s5 =	sld [smem:$0x3FB3]  }
0x2b: {  	s6 =	sld [smem:$0x3FB4]  }
0x2c: {  	s7 =	sld [smem:$0x3FB5]  }
0x2d: {  	s3 =	simm.s32 $0x108;
	s8 =	sld [smem:$0x3FB6]  }
0x2e: {  	s3 =	simm.s32 @!p0 $0x1082;
	s9 =	sld [smem:$0x3FB7]  }
0x2f: {  	lr =	sadd.s32 s0, s3;
	s0 =	sld [smem:$0x3FAE]  }
0x30: {  	s3 =	sld [smem:$0x3FB1]  }
0x31: {  	[smem:$0x3FBA] =	sst s10  }
0x32: {  	s10 =	sld [smem:$0x3FB8];
	_ =	sdelay $0x3  }
0x33: {  	p0 =	seq.s32 s10, $0x1;
	s10 =	sld [smem:$0x3FBA];
	_ =	sdelay $0x3  }
0x34: {  	[smem:$0x3FBA] =	sst s10  }
0x35: {  	s10 =	sld [smem:$0x3FB9];
	_ =	sdelay $0x3  }
0x36: {  	p1 =	seq.s32 s10, $0x1;
	s10 =	sld [smem:$0x3FBA];
	_ =	sdelay $0x3  }
0x37: {  	[smem:$0x3FBA] =	sst s10  }
0x38: {  	s10 =	sld [smem:$0x3FBB]  }
0x39: {  	_ = 	snop;
	(pc) =	sbr.ind lr, $3  }
0x3a: {  	_ = 	snop  }
0x3b: {  	_ = 	snop  }
0x3c: {  	p2 =	seq.s32 s10, $0x1;
	s10 =	sld [smem:$0x3FBA]  }
0x3d: {  	_ =	shalt  }
0x3e: {  	_ =	shalt  }
0x3f: {  	_ =	shalt  }
0x40: {  	_ =	shalt  }
0x41: {  	_ =	shalt  }
0x42: {  	_ =	shalt  }
0x43: {  	_ =	shalt  }
0x44: {  	_ =	shalt  }
0x45: {  	_ =	shalt  }
0x46: {  	_ =	shalt  }
0x47: {  	_ =	shalt  }
0x48: {  	_ =	shalt  }
0x49: {  	_ =	shalt  }
0x4a: {  	_ =	shalt  }
0x4b: {  	_ =	shalt  }
0x4c: {  	_ =	shalt  }
0x4d: {  	_ =	shalt  }
0x4e: {  	_ =	shalt  }
0x4f: {  	_ =	shalt  }
0x50: {  	_ =	shalt  }
0x51: {  	_ =	shalt  }
0x52: {  	_ =	shalt  }
0x53: {  	_ =	shalt  }
0x54: {  	_ =	shalt  }
0x55: {  	_ =	shalt  }
0x56: {  	_ =	shalt  }
0x57: {  	_ =	shalt  }
0x58: {  	_ =	shalt  }
0x59: {  	_ =	shalt  }
0x5a: {  	_ =	shalt  }
0x5b: {  	_ =	shalt  }
0x5c: {  	_ =	shalt  }
0x5d: {  	_ =	shalt  }
0x5e: {  	_ =	shalt  }
0x5f: {  	_ =	shalt  }
0x60: {  	_ =	shalt  }
0x61: {  	_ =	shalt  }
0x62: {  	_ =	shalt  }
0x63: {  	_ =	shalt  }
0x64: {  	_ =	shalt  }
0x65: {  	_ =	shalt  }
0x66: {  	_ =	shalt  }
0x67: {  	_ =	shalt  }
0x68: {  	_ =	shalt  }
0x69: {  	_ =	shalt  }
0x6a: {  	_ =	shalt  }
0x6b: {  	_ =	shalt  }
0x6c: {  	_ =	shalt  }
0x6d: {  	_ =	shalt  }
0x6e: {  	_ =	shalt  }
0x6f: {  	_ =	shalt  }
0x70: {  	_ =	shalt  }
0x71: {  	_ =	shalt  }
0x72: {  	_ =	shalt  }
0x73: {  	_ =	shalt  }
0x74: {  	_ =	shalt  }
0x75: {  	_ =	shalt  }
0x76: {  	_ =	shalt  }
0x77: {  	_ =	shalt  }
0x78: {  	_ =	shalt  }
0x79: {  	_ =	shalt  }
0x7a: {  	_ =	shalt  }
0x7b: {  	_ =	shalt  }
0x7c: {  	_ =	shalt  }
0x7d: {  	_ =	shalt  }
0x7e: {  	_ =	shalt  }
0x7f: {  	_ =	shalt  }
0x80: {  	_ =	shalt  }
0x81: {  	_ =	shalt  }
0x82: {  	_ =	shalt  }
0x83: {  	_ =	shalt  }
0x84: {  	_ =	shalt  }
0x85: {  	_ =	shalt  }
0x86: {  	_ =	shalt  }
0x87: {  	_ =	shalt  }
.Lfunc_end0:
.L_simem_size_0:
called_computation.1_lowered:
.L_overlay_start_0:
0x88: {  	s2 =	sld [smem:$0x3FD9]  }
0x89: {  	s3 =	sld [smem:$0x3FFE];
	_ =	sdelay $0x1  }
0x8a: {  	s1 =	srdreg.scid  }
0x8b: {  	s0 =	sand.u32 $0x1, s1  }
0x8c: {  	s17 =	sshll.u32 s0, $0xA;
	s2 =	sadd.s32 s3, s2  }
0x8d: {  	s2 =	sadd.s32 s2, s17  }
0x8e: {  	[smem:$0x3FC6] =	sst s2  }
0x8f: {  	_ = 	snop  }
0x90: {  	s2 =	sld [smem:$0x3FC8]  }
0x91: {  	s18 =	sld [smem:$0x3FD0];
	(tm) =	ssettm $0x1  }
0x92: {  	s4 =	sld [smem:$0x3FFB];
	_ =	sdelay $0x3  }
0x93: {  	_ =	strace s4  }
0x94: {  	s4 =	sld [smem:$0x3FFC];
	_ =	sdelay $0x3  }
0x95: {  	_ =	strace s4  }
0x96: {  	s4 =	sld [smem:$0x3FFD];
	_ =	sdelay $0x3  }
0x97: {  	_ =	strace s4  }
0x98: {  	_ =	strace $0x8FFFFFFF  }
0x99: {  	s19 =	sld [smem:$0x3FDB];
	_ =	sdelay $0x1  }
0x9a: {  	s5 =	simm.s32 $_scs_section_size  }
0x9b: {  	s6 =	simm.s32 $_size__tile_overlayer_lowered;
	s7 =	simm.s32 $_tile_overlayer_lowered  }
0x9c: {  	s22 =	simm.s32 $0x1BFF;
	s21 =	sshll.u32 s7, $0x1;
	s4 =	sadd.s32 s5, s19  }
0x9d: {  	s8 =	simm.s32 $0x0;
	s20 =	sshll.u32 s6, $0x1;
	s6 =	sadd.s32 s21, s4  }
0x9e: {  	[timem:s8], [sflag:s22] =	dma.local [hbm:s6], s20  }
0x9f: {  	_ =	swait.ge [sflag:s22], s20  }
0xa0: {  	s5 =	ssub.s32 $0x0, s20;
	[sflag:s22] =	ssyncset.done $0x0  }
0xa1: {  	[sflag:s22] =	ssyncadd.s32 s5;
	_ =	sdelay $0x1  }
0xa2: {  	s23 =	simm.s32 $0x1B8B  }
0xa3: {  	_ =	swait.ge [sflag:s23], $0x1  }
0xa4: {  	[sflag:s23] =	ssyncset.done $0x0  }
0xa5: {  	s25 =	simm.s32 $0x1B8E;
	s24 =	sld [smem:$0x3FFE];
	[sflag:s23] =	ssyncadd.s32 $0xFFFFFFFF  }
0xa6: {  	s26 =	simm.s32 $execute0_lowered;
	[smem:$0x3FD2] =	sst s25  }
0xa7: {  	s6 =	sshll.u32 s26, $0x1;
	_ =	strace $0x80000046;
	[dreg:$0x1] =	wrdreg $0xFFFFFFFF  }
0xa8: {  	s28 =	simm.s32 $_size_execute0_lowered;
	s4 =	sadd.s32 s4, s6;
	[dreg:$0x0] =	wrdreg $0x0  }
0xa9: {  	s6 =	sshll.u32 s28, $0x1;
	[dreg:$0x2] =	wrdreg s4  }
0xaa: {  	[dreg:$0x3] =	wrdreg s6  }
0xab: {  	[dreg:$0x4] =	wrdreg $0xC0  }
0xac: {  	_ =	task [dreg:s8], $0x5FFFF  }
0xad: {  	[dreg:$0x1] =	wrdreg $0xFFFFFFFF  }
0xae: {  	[dreg:$0x0] =	wrdreg $0x60  }
0xaf: {  	[dreg:$0x2] =	wrdreg s24  }
0xb0: {  	[dreg:$0x3] =	wrdreg s2  }
0xb1: {  	[dreg:$0x4] =	wrdreg s18  }
0xb2: {  	[dreg:$0x5] =	wrdreg $0x9  }
0xb3: {  	_ =	task.clear_ibuf [dreg:s8], $0x6FFFF;
	_ =	strace $0x90000046  }
0xb4: {  	s29 =	simm.s32 $0x9;
	_ =	strace $0x80000048  }
0xb5: {  	_ =	swait.ge [sflag:s29], $0x1  }
0xb6: {  	[sflag:s29] =	ssyncadd.s32 $0xFFFFFFFF  }
0xb7: {  	_ =	strace $0x90000048  }
0xb8: {  	_ =	sfence  }
0xb9: {  	s30 =	sld [smem:$0x0];
	_ =	sdelay $0x2  }
0xba: {  	s31 =	sshll.u32 s1, $0xD;
	s1 =	sshrl.u32 s1, $0x2  }
0xbb: {  	s3 =	sand.u32 $0x4000, s31;
	s1 =	sadd.s32 s1, s30  }
0xbc: {  	s0 =	sor.u32 s3, s0;
	s1 =	sshll.u32 s1, $0x11  }
0xbd: {  	s0 =	sor.u32 s1, s0  }
0xbe: {  	s0 =	sadd.s32 $0x8F2B, s0  }
0xbf: {  	[sflag:s0] =	ssyncadd.remote.s32 $0x1  }
0xc0: {  	_ =	sfence.sel $0xFFFF  }
0xc1: {  	[dreg:$0x0] =	wrdreg $0xFFFFFFFF;
	(pc) =	sbr.abs _section_cstart, $3  }
0xc2: {  	[dreg:$0x1] =	wrdreg $0xFFFFFFFF  }
0xc3: {  	_ =	task.clear_ibuf [dreg:s8], $0x2FFFF;
	_ =	strace $0x9FFFFFFF  }
0xc4: {  	(tm) =	ssettm $0x7FFFFFFF  }
0xc5: {  	_ =	shalt  }
tec
execute0_lowered:
.L_overlay_start_1:
0x0: {  	(tag) =	ssettag $0x1  }
0x1: {  	s5 =	rddreg [dreg:$0x0]  }
0x2: {  	s1 =	srdreg.scid;
	s2 =	rddreg [dreg:$0x1]  }
0x3: {  	s0 =	stileid.u32;
	s3 =	rddreg [dreg:$0x2]  }
0x4: {  	s4 =	simm.s32 $0x0;
	s10 =	simm.s32 $0x80;
	s11 =	simm.s32 $0x1900  }
0x5: {  	s12 =	simm.s32 $0x5900;
	s13 =	simm.s32 $0x1;
	s14 =	simm.s32 $0x9900  }
0x6: {  	s15 =	simm.s32 $0x2;
	s6 =	sand.u32 $0x1, s1;
	s29 =	sshll.u32 s0, $0x1  }
0x7: {  	s16 =	simm.s32 $0x4;
	s17 =	simm.s32 $0xB900;
	s7 =	sor.u32 s6, s29  }
0x8: {  	s18 =	simm.s32 $0x3;
	s19 =	simm.s32 $0x0;
	s8 =	smul.u32 $0x320, s7  }
.Ltmp0:
0x9: {  	s1 =	rddreg [dreg:$0x3];
	s6 =	ssub.s32 $0x2, s6;
	(pc) =	sbr.rel .LBB2_1-.Ltmp0, $4  }
0xa: {  	[smem:$0x7FF] =	sst s4;
	s30 =	sshrl.u32 s6, $0x1;
	s9 =	smul.u32 $0xC800, s7  }
0xb: {  	_ =	strace $0x80000047;
	s5 =	sadd.s32 s8, s5;
	s8 =	ssub.s32 s6, s30  }
0xc: {  	s6 =	smul.u32 $0x64000, s7;
	s31 =	sadd.s32 s9, s3;
	s9 =	simm.s32 $0x5  }
0xd: {  	s5 =	sadd.s32 $0x800, s5;
	s7 =	smax.u32 s8, $0x1;
	s8 =	sadd.s32 $0x400, s31  }
.LBB2_12:
0xe: {  	s19 =	sadd.s32 $0x1, s19  }
0xf: {  	_ =	swait.ge [sflag:s18], $0x2000;
	p0 =	sne.s32 s19, s7  }
.Ltmp1:
0x10: {  	[sflag:s18] =	ssyncset.done $0x0;
	(pc) =	sbr.rel @!p0 .LBB2_13-.Ltmp1, $4  }
0x11: {  	[sflag:s18] =	ssyncadd.s32 $0xFFFFE000  }
0x12: {  	_ =	swait.ge [sflag:s16], $0x2000  }
0x13: {  	[sflag:s16] =	ssyncset.done $0x0  }
0x14: {  	[sflag:s16] =	ssyncadd.s32 $0xFFFFE000  }
.LBB2_1:
0x15: {  	[tilespmem:s4], [sflag:$0x5] =	stream.linear.gather [hbm4b:s5+s4], $0x1900, $0x38;
	[tilespmem:$0xD900] =	vst v63  }
0x16: {  	_ =	swait.ge [sflag:s9], $0x1900  }
0x17: {  	[sflag:s9] =	ssyncset.done $0x0  }
0x18: {  	[sflag:s9] =	ssyncadd.s32 $0xFFFFE700  }
0x19: {  	[tilespmem:s11], [sflag:$0x1] =	stream.indirect.gather [hbm4b:s2+s10], $0x80, s4, s10, $0xb8;
	[tilespmem:$0xD900] =	vst v63  }
0x1a: {  	s20 =	simm.s32 $0x0  }
0x1b: {  	[tilespmem:s12], [sflag:$0x2] =	stream.indirect.gather [hbm4b:s2+s10], $0x80, s10, s10, $0xb8;
	[tilespmem:$0xD900] =	vst v63  }
.LBB2_2:
0x1c: {  	_ =	swait.ge [sflag:s13], $0x4000  }
0x1d: {  	p0 =	seq.s32 s20, $0x0;
	[sflag:s13] =	ssyncset.done $0x0  }
0x1e: {  	s21 =	simm.s32 @!p0 $0x3;
	[sflag:s13] =	ssyncadd.s32 $0xFFFFC000  }
0x1f: {  	_ =	swait.ge @!p0 [sflag:s21], $0x2000  }
0x20: {  	[sflag:s21] =	ssyncset.done @!p0 $0x0  }
0x21: {  	s28 =	simm.s32 $0x1A00;
	[sflag:s21] =	ssyncadd.s32 @!p0 $0xFFFFE000  }
0x22: {  	v0 =	vld [tilespmem:s28+$0x80];
	_ =	sdelay $0x3  }
0x23: {  	v1 =	vld [tilespmem:s28+$0xFFFFFF00]  }
0x24: {  	v2 =	vld [tilespmem:s28+$0xFFFFFF80];
	v0 =	vmul.f32 $8.000000000e+00, v0  }
0x25: {  	s22 =	simm.s32 $0x9980;
	v3 =	vld [tilespmem:s28+$0x0]  }
0x26: {  	[tilespmem:s22+$0x40] =	vst v0  }
0x27: {  	v0 =	vld [tilespmem:s28+$0x90]  }
0x28: {  	v1 =	vmul.f32 $8.000000000e+00, v1  }
0x29: {  	v2 =	vmul.f32 $8.000000000e+00, v2  }
0x2a: {  	v3 =	vmul.f32 $8.000000000e+00, v3;
	[tilespmem:s22+$0xFFFFFF80] =	vst v1  }
0x2b: {  	[tilespmem:s22+$0xFFFFFFC0] =	vst v2;
	v1 =	vld [tilespmem:s28+$0xFFFFFF10]  }
0x2c: {  	[tilespmem:s22+$0x0] =	vst v3;
	v2 =	vld [tilespmem:s28+$0xFFFFFF90];
	v0 =	vmul.f32 $8.000000000e+00, v0  }
0x2d: {  	s23 =	simm.s32 $0x1C00;
	v3 =	vld [tilespmem:s28+$0x10]  }
0x2e: {  	[tilespmem:s22+$0x50] =	vst v0;
	v0 =	vld [tilespmem:s23+$0x80]  }
0x2f: {  	v4 =	vld [tilespmem:s28+$0xA0]  }
0x30: {  	v5 =	vld [tilespmem:s23+$0xFFFFFF80];
	v1 =	vmul.f32 $8.000000000e+00, v1  }
0x31: {  	v6 =	vld [tilespmem:s23+$0x0];
	v2 =	vmul.f32 $8.000000000e+00, v2  }
0x32: {  	v3 =	vmul.f32 $8.000000000e+00, v3;
	[tilespmem:s22+$0xFFFFFF90] =	vst v1;
	v1 =	vld [tilespmem:s23+$0xFFFFFF00]  }
0x33: {  	[tilespmem:s22+$0xFFFFFFD0] =	vst v2;
	v2 =	vld [tilespmem:s28+$0xFFFFFF20];
	v0 =	vmul.f32 $8.000000000e+00, v0  }
0x34: {  	s24 =	simm.s32 $0x9A80;
	[tilespmem:s22+$0x10] =	vst v3;
	v7 =	vld [tilespmem:s28+$0xFFFFFFA0];
	v3 =	vmul.f32 $8.000000000e+00, v4  }
0x35: {  	v4 =	vmul.f32 $8.000000000e+00, v5;
	[tilespmem:s24+$0x40] =	vst v0;
	v0 =	vld [tilespmem:s28+$0x20]  }
0x36: {  	v5 =	vmul.f32 $8.000000000e+00, v6;
	v6 =	vld [tilespmem:s23+$0x90];
	[tilespmem:s22+$0x60] =	vst v3  }
0x37: {  	v1 =	vmul.f32 $8.000000000e+00, v1;
	[tilespmem:s24+$0xFFFFFFC0] =	vst v4;
	v8 =	vld [tilespmem:s28+$0xB0]  }
0x38: {  	v2 =	vmul.f32 $8.000000000e+00, v2;
	[tilespmem:s24+$0x0] =	vst v5;
	v9 =	vld [tilespmem:s23+$0xFFFFFF90]  }
0x39: {  	[tilespmem:s24+$0xFFFFFF80] =	vst v1;
	v5 =	vmul.f32 $8.000000000e+00, v7;
	v3 =	vld [tilespmem:s23+$0x10]  }
0x3a: {  	v4 =	vld [tilespmem:s23+$0xFFFFFF10];
	[tilespmem:s22+$0xFFFFFFA0] =	vst v2;
	v2 =	vmul.f32 $8.000000000e+00, v0  }
0x3b: {  	v1 =	vld [tilespmem:s28+$0xFFFFFF30];
	[tilespmem:s22+$0xFFFFFFE0] =	vst v5;
	v7 =	vmul.f32 $8.000000000e+00, v6  }
0x3c: {  	v0 =	vld [tilespmem:s28+$0xFFFFFFB0];
	[tilespmem:s22+$0x20] =	vst v2;
	v5 =	vmul.f32 $8.000000000e+00, v8  }
0x3d: {  	s25 =	simm.s32 $0x4;
	s26 =	simm.s32 $0x1E00;
	s21 =	sshll.u32 s20, $0xA;
	v6 =	vmul.f32 $8.000000000e+00, v9;
	[tilespmem:s24+$0x50] =	vst v7;
	v2 =	vld [tilespmem:s28+$0x30]  }
.LBB2_3:
0x3e: {  	v7 =	vld [tilespmem:s26+$0x80];
	v3 =	vmul.f32 $8.000000000e+00, v3;
	[tilespmem:s22+$0x70] =	vst v5  }
0x3f: {  	s25 =	sadd.s32 $0x4, s25;
	v4 =	vmul.f32 $8.000000000e+00, v4;
	[tilespmem:s24+$0xFFFFFFD0] =	vst v6;
	v5 =	vld [tilespmem:s23+$0xA0]  }
0x40: {  	p1 =	slt.u32 s25, $0x7C;
	v6 =	vld [tilespmem:s26+$0xFFFFFF80];
	[tilespmem:s24+$0x10] =	vst v3;
	v1 =	vmul.f32 $8.000000000e+00, v1  }
0x41: {  	v3 =	vld [tilespmem:s26+$0x0];
	[tilespmem:s24+$0xFFFFFF90] =	vst v4;
	v0 =	vmul.f32 $8.000000000e+00, v0  }
0x42: {  	v4 =	vld [tilespmem:s26+$0xFFFFFF00];
	[tilespmem:s22+$0xFFFFFFB0] =	vst v1;
	v1 =	vmul.f32 $8.000000000e+00, v2  }
0x43: {  	v2 =	vmul.f32 $8.000000000e+00, v7;
	v7 =	vld [tilespmem:s23+$0xFFFFFF20];
	[tilespmem:s22+$0xFFFFFFF0] =	vst v0  }
0x44: {  	v0 =	vld [tilespmem:s23+$0xFFFFFFA0];
	v5 =	vmul.f32 $8.000000000e+00, v5;
	[tilespmem:s22+$0x30] =	vst v1;
	s22 =	smov.u32 s24;
	s24 =	sadd.s32 $0x100, s24  }
0x45: {  	v1 =	vmul.f32 $8.000000000e+00, v6;
	[tilespmem:s24+$0x40] =	vst v2;
	v2 =	vld [tilespmem:s23+$0x20]  }
0x46: {  	v3 =	vmul.f32 $8.000000000e+00, v3;
	v6 =	vld [tilespmem:s26+$0x90];
	[tilespmem:s22+$0x60] =	vst v5  }
0x47: {  	v4 =	vmul.f32 $8.000000000e+00, v4;
	[tilespmem:s24+$0xFFFFFFC0] =	vst v1;
	v5 =	vld [tilespmem:s23+$0xB0]  }
0x48: {  	v8 =	vld [tilespmem:s26+$0xFFFFFF90];
	[tilespmem:s24+$0x0] =	vst v3;
	v1 =	vmul.f32 $8.000000000e+00, v7  }
.Ltmp2:
0x49: {  	[tilespmem:s24+$0xFFFFFF80] =	vst v4;
	v3 =	vld [tilespmem:s26+$0x10];
	v0 =	vmul.f32 $8.000000000e+00, v0;
	(pc) =	sbr.rel @p1 .LBB2_3-.Ltmp2, $4  }
0x4a: {  	v4 =	vld [tilespmem:s26+$0xFFFFFF10];
	[tilespmem:s22+$0xFFFFFFA0] =	vst v1;
	v2 =	vmul.f32 $8.000000000e+00, v2  }
0x4b: {  	v7 =	vmul.f32 $8.000000000e+00, v6;
	v1 =	vld [tilespmem:s23+$0xFFFFFF30];
	[tilespmem:s22+$0xFFFFFFE0] =	vst v0  }
0x4c: {  	v0 =	vld [tilespmem:s23+$0xFFFFFFB0];
	[tilespmem:s22+$0x20] =	vst v2;
	v5 =	vmul.f32 $8.000000000e+00, v5  }
0x4d: {  	v6 =	vmul.f32 $8.000000000e+00, v8;
	[tilespmem:s24+$0x50] =	vst v7;
	v2 =	vld [tilespmem:s23+$0x30];
	s23 =	smov.u32 s26;
	s26 =	sadd.s32 $0x200, s26  }
0x4e: {  	v3 =	vmul.f32 $8.000000000e+00, v3  }
0x4f: {  	v7 =	vld [tilespmem:s23+$0xA0];
	v4 =	vmul.f32 $8.000000000e+00, v4;
	[tilespmem:s24+$0xFFFFFFD0] =	vst v6  }
0x50: {  	[tilespmem:s24+$0x10] =	vst v3;
	v53 =	vld [tilespmem:s23+$0xFFFFFFA0]  }
0x51: {  	[tilespmem:s24+$0xFFFFFF90] =	vst v4;
	v54 =	vld [tilespmem:s23+$0x20]  }
0x52: {  	v4 =	vld [tilespmem:s23+$0xFFFFFF20];
	_ =	sdelay $0x1  }
0x53: {  	v7 =	vmul.f32 $8.000000000e+00, v7  }
0x54: {  	v3 =	vmul.f32 $8.000000000e+00, v53  }
0x55: {  	[tilespmem:s24+$0x60] =	vst v7;
	v6 =	vmul.f32 $8.000000000e+00, v54  }
0x56: {  	v55 =	vld [tilespmem:s23+$0xB0];
	v4 =	vmul.f32 $8.000000000e+00, v4;
	[tilespmem:s24+$0xFFFFFFE0] =	vst v3  }
0x57: {  	[tilespmem:s24+$0x20] =	vst v6;
	v57 =	vld [tilespmem:s23+$0xFFFFFFB0]  }
0x58: {  	v1 =	vmul.f32 $8.000000000e+00, v1;
	[tilespmem:s24+$0xFFFFFFA0] =	vst v4;
	v58 =	vld [tilespmem:s23+$0x30]  }
0x59: {  	[tilespmem:s22+$0x70] =	vst v5;
	v0 =	vmul.f32 $8.000000000e+00, v0;
	v56 =	vld [tilespmem:s23+$0xFFFFFF30]  }
0x5a: {  	[tilespmem:s22+$0xFFFFFFB0] =	vst v1;
	v59 =	vmul.f32 $8.000000000e+00, v2  }
0x5b: {  	[tilespmem:s22+$0xFFFFFFF0] =	vst v0;
	v60 =	vmul.f32 $8.000000000e+00, v55  }
0x5c: {  	p1 =	sne.s32 s20, $0x18;
	[tilespmem:s22+$0x30] =	vst v59;
	v62 =	vmul.f32 $8.000000000e+00, v57  }
.Ltmp3:
0x5d: {  	s31 =	sshll.u32 s20, $0xE;
	[tilespmem:s24+$0x70] =	vst v60;
	v63 =	vmul.f32 $8.000000000e+00, v58;
	(pc) =	sbr.rel @p1 .LBB2_6-.Ltmp3, $4  }
0x5e: {  	s22 =	sadd.s32 s6, s31;
	v61 =	vmul.f32 $8.000000000e+00, v56;
	[tilespmem:s24+$0xFFFFFFF0] =	vst v62  }
0x5f: {  	s22 =	sshrl.u32 s22, $0x3;
	[tilespmem:s24+$0x30] =	vst v63  }
0x60: {  	s22 =	sadd.s32 s3, s22;
	[tilespmem:s24+$0xFFFFFFB0] =	vst v61  }
0x61: {  	[hbm4b:s22+s4] =	stream.linear.scatter [tilespmem:s14], [sflag:$0x3], $0x2000, $0x38;
	[tilespmem:$0xD900] =	vst v63  }
.Ltmp4:
0x62: {  	(pc) =	sbr.rel .LBB2_7-.Ltmp4, $4  }
0x63: {  	_ = 	snop  }
0x64: {  	_ =	swait.ge [sflag:s15], $0x4000  }
0x65: {  	[sflag:s15] =	ssyncset.done $0x0  }
0x66: {  	[sflag:s15] =	ssyncadd.s32 $0xFFFFC000  }
.LBB2_6:
0x67: {  	s22 =	sshrl.u32 s21, $0x2  }
.Ltmp5:
0x68: {  	s22 =	sadd.s32 $0x100, s22;
	(pc) =	sbr.rel @p0 .LBB2_8-.Ltmp5, $4  }
0x69: {  	[tilespmem:s11], [sflag:$0x1] =	stream.indirect.gather [hbm4b:s2+s10], $0x80, s22, s10, $0xb8;
	[tilespmem:$0xD900] =	vst v63  }
0x6a: {  	_ =	swait.ge [sflag:s15], $0x4000  }
0x6b: {  	[sflag:s15] =	ssyncset.done $0x0  }
0x6c: {  	[sflag:s15] =	ssyncadd.s32 $0xFFFFC000  }
.LBB2_7:
0x6d: {  	_ =	swait.ge [sflag:s16], $0x2000  }
0x6e: {  	[sflag:s16] =	ssyncset.done $0x0  }
0x6f: {  	[sflag:s16] =	ssyncadd.s32 $0xFFFFE000  }
.LBB2_8:
0x70: {  	s28 =	simm.s32 $0x5AB0  }
0x71: {  	v0 =	vld [tilespmem:s28+$0xFFFFFFD0];
	_ =	sdelay $0x3  }
0x72: {  	v1 =	vld [tilespmem:s28+$0xFFFFFE50]  }
0x73: {  	v2 =	vld [tilespmem:s28+$0xFFFFFED0];
	v0 =	vmul.f32 $8.000000000e+00, v0  }
0x74: {  	s22 =	simm.s32 $0xB9F0;
	v3 =	vld [tilespmem:s28+$0xFFFFFF50]  }
0x75: {  	[tilespmem:s22+$0xFFFFFFD0] =	vst v0  }
0x76: {  	v0 =	vld [tilespmem:s28+$0xFFFFFFE0]  }
0x77: {  	v1 =	vmul.f32 $8.000000000e+00, v1  }
0x78: {  	v2 =	vmul.f32 $8.000000000e+00, v2  }
0x79: {  	v3 =	vmul.f32 $8.000000000e+00, v3;
	[tilespmem:s22+$0xFFFFFF10] =	vst v1  }
0x7a: {  	[tilespmem:s22+$0xFFFFFF50] =	vst v2;
	v1 =	vld [tilespmem:s28+$0xFFFFFE60]  }
0x7b: {  	[tilespmem:s22+$0xFFFFFF90] =	vst v3;
	v2 =	vld [tilespmem:s28+$0xFFFFFEE0];
	v0 =	vmul.f32 $8.000000000e+00, v0  }
0x7c: {  	s23 =	simm.s32 $0x5CB0;
	v3 =	vld [tilespmem:s28+$0xFFFFFF60]  }
0x7d: {  	[tilespmem:s22+$0xFFFFFFE0] =	vst v0;
	v0 =	vld [tilespmem:s23+$0xFFFFFFD0]  }
0x7e: {  	v4 =	vld [tilespmem:s28+$0xFFFFFFF0]  }
0x7f: {  	v5 =	vld [tilespmem:s23+$0xFFFFFED0];
	v1 =	vmul.f32 $8.000000000e+00, v1  }
0x80: {  	v6 =	vld [tilespmem:s23+$0xFFFFFF50];
	v2 =	vmul.f32 $8.000000000e+00, v2  }
0x81: {  	v3 =	vmul.f32 $8.000000000e+00, v3;
	[tilespmem:s22+$0xFFFFFF20] =	vst v1;
	v1 =	vld [tilespmem:s23+$0xFFFFFE50]  }
0x82: {  	[tilespmem:s22+$0xFFFFFF60] =	vst v2;
	v2 =	vld [tilespmem:s28+$0xFFFFFE70];
	v0 =	vmul.f32 $8.000000000e+00, v0  }
0x83: {  	s24 =	simm.s32 $0xBAF0;
	[tilespmem:s22+$0xFFFFFFA0] =	vst v3;
	v7 =	vld [tilespmem:s28+$0xFFFFFEF0];
	v3 =	vmul.f32 $8.000000000e+00, v4  }
0x84: {  	v4 =	vmul.f32 $8.000000000e+00, v5;
	[tilespmem:s24+$0xFFFFFFD0] =	vst v0;
	v0 =	vld [tilespmem:s28+$0xFFFFFF70]  }
0x85: {  	v5 =	vmul.f32 $8.000000000e+00, v6;
	v6 =	vld [tilespmem:s23+$0xFFFFFFE0];
	[tilespmem:s22+$0xFFFFFFF0] =	vst v3  }
0x86: {  	v1 =	vmul.f32 $8.000000000e+00, v1;
	[tilespmem:s24+$0xFFFFFF50] =	vst v4;
	v8 =	vld [tilespmem:s28+$0x0]  }
0x87: {  	v2 =	vmul.f32 $8.000000000e+00, v2;
	[tilespmem:s24+$0xFFFFFF90] =	vst v5;
	v9 =	vld [tilespmem:s23+$0xFFFFFEE0]  }
0x88: {  	[tilespmem:s24+$0xFFFFFF10] =	vst v1;
	v5 =	vmul.f32 $8.000000000e+00, v7;
	v3 =	vld [tilespmem:s23+$0xFFFFFF60]  }
0x89: {  	v4 =	vld [tilespmem:s23+$0xFFFFFE60];
	[tilespmem:s22+$0xFFFFFF30] =	vst v2;
	v2 =	vmul.f32 $8.000000000e+00, v0  }
0x8a: {  	v1 =	vld [tilespmem:s28+$0xFFFFFE80];
	[tilespmem:s22+$0xFFFFFF70] =	vst v5;
	v7 =	vmul.f32 $8.000000000e+00, v6  }
0x8b: {  	v0 =	vld [tilespmem:s28+$0xFFFFFF00];
	[tilespmem:s22+$0xFFFFFFB0] =	vst v2;
	v5 =	vmul.f32 $8.000000000e+00, v8  }
0x8c: {  	s25 =	simm.s32 $0x4;
	s26 =	simm.s32 $0x5EB0;
	v6 =	vmul.f32 $8.000000000e+00, v9;
	[tilespmem:s24+$0xFFFFFFE0] =	vst v7;
	v2 =	vld [tilespmem:s28+$0xFFFFFF80]  }
.LBB2_9:
0x8d: {  	v7 =	vld [tilespmem:s26+$0xFFFFFFD0];
	v3 =	vmul.f32 $8.000000000e+00, v3;
	[tilespmem:s22+$0x0] =	vst v5  }
0x8e: {  	s25 =	sadd.s32 $0x4, s25;
	v4 =	vmul.f32 $8.000000000e+00, v4;
	[tilespmem:s24+$0xFFFFFF60] =	vst v6;
	v5 =	vld [tilespmem:s23+$0xFFFFFFF0]  }
0x8f: {  	p0 =	slt.u32 s25, $0x7C;
	v6 =	vld [tilespmem:s26+$0xFFFFFED0];
	[tilespmem:s24+$0xFFFFFFA0] =	vst v3;
	v1 =	vmul.f32 $8.000000000e+00, v1  }
0x90: {  	v3 =	vld [tilespmem:s26+$0xFFFFFF50];
	[tilespmem:s24+$0xFFFFFF20] =	vst v4;
	v0 =	vmul.f32 $8.000000000e+00, v0  }
0x91: {  	v4 =	vld [tilespmem:s26+$0xFFFFFE50];
	[tilespmem:s22+$0xFFFFFF40] =	vst v1;
	v1 =	vmul.f32 $8.000000000e+00, v2  }
0x92: {  	v2 =	vmul.f32 $8.000000000e+00, v7;
	v7 =	vld [tilespmem:s23+$0xFFFFFE70];
	[tilespmem:s22+$0xFFFFFF80] =	vst v0  }
0x93: {  	v0 =	vld [tilespmem:s23+$0xFFFFFEF0];
	v5 =	vmul.f32 $8.000000000e+00, v5;
	[tilespmem:s22+$0xFFFFFFC0] =	vst v1;
	s22 =	smov.u32 s24;
	s24 =	sadd.s32 $0x100, s24  }
0x94: {  	v1 =	vmul.f32 $8.000000000e+00, v6;
	[tilespmem:s24+$0xFFFFFFD0] =	vst v2;
	v2 =	vld [tilespmem:s23+$0xFFFFFF70]  }
0x95: {  	v3 =	vmul.f32 $8.000000000e+00, v3;
	v6 =	vld [tilespmem:s26+$0xFFFFFFE0];
	[tilespmem:s22+$0xFFFFFFF0] =	vst v5  }
0x96: {  	v4 =	vmul.f32 $8.000000000e+00, v4;
	[tilespmem:s24+$0xFFFFFF50] =	vst v1;
	v5 =	vld [tilespmem:s23+$0x0]  }
0x97: {  	v8 =	vld [tilespmem:s26+$0xFFFFFEE0];
	[tilespmem:s24+$0xFFFFFF90] =	vst v3;
	v1 =	vmul.f32 $8.000000000e+00, v7  }
.Ltmp6:
0x98: {  	[tilespmem:s24+$0xFFFFFF10] =	vst v4;
	v3 =	vld [tilespmem:s26+$0xFFFFFF60];
	v0 =	vmul.f32 $8.000000000e+00, v0;
	(pc) =	sbr.rel @p0 .LBB2_9-.Ltmp6, $4  }
0x99: {  	v4 =	vld [tilespmem:s26+$0xFFFFFE60];
	[tilespmem:s22+$0xFFFFFF30] =	vst v1;
	v2 =	vmul.f32 $8.000000000e+00, v2  }
0x9a: {  	v7 =	vmul.f32 $8.000000000e+00, v6;
	v1 =	vld [tilespmem:s23+$0xFFFFFE80];
	[tilespmem:s22+$0xFFFFFF70] =	vst v0  }
0x9b: {  	v0 =	vld [tilespmem:s23+$0xFFFFFF00];
	[tilespmem:s22+$0xFFFFFFB0] =	vst v2;
	v5 =	vmul.f32 $8.000000000e+00, v5  }
0x9c: {  	v6 =	vmul.f32 $8.000000000e+00, v8;
	[tilespmem:s24+$0xFFFFFFE0] =	vst v7;
	v2 =	vld [tilespmem:s23+$0xFFFFFF80];
	s23 =	smov.u32 s26;
	s26 =	sadd.s32 $0x200, s26  }
0x9d: {  	v3 =	vmul.f32 $8.000000000e+00, v3  }
0x9e: {  	v7 =	vld [tilespmem:s23+$0xFFFFFFF0];
	v4 =	vmul.f32 $8.000000000e+00, v4;
	[tilespmem:s24+$0xFFFFFF60] =	vst v6  }
0x9f: {  	[tilespmem:s24+$0xFFFFFFA0] =	vst v3;
	v53 =	vld [tilespmem:s23+$0xFFFFFEF0]  }
0xa0: {  	[tilespmem:s24+$0xFFFFFF20] =	vst v4;
	v54 =	vld [tilespmem:s23+$0xFFFFFF70]  }
0xa1: {  	v4 =	vld [tilespmem:s23+$0xFFFFFE70];
	_ =	sdelay $0x1  }
0xa2: {  	v7 =	vmul.f32 $8.000000000e+00, v7  }
0xa3: {  	v3 =	vmul.f32 $8.000000000e+00, v53  }
0xa4: {  	[tilespmem:s24+$0xFFFFFFF0] =	vst v7;
	v6 =	vmul.f32 $8.000000000e+00, v54  }
0xa5: {  	v55 =	vld [tilespmem:s23+$0x0];
	v4 =	vmul.f32 $8.000000000e+00, v4;
	[tilespmem:s24+$0xFFFFFF70] =	vst v3  }
0xa6: {  	[tilespmem:s24+$0xFFFFFFB0] =	vst v6;
	v57 =	vld [tilespmem:s23+$0xFFFFFF00]  }
0xa7: {  	v1 =	vmul.f32 $8.000000000e+00, v1;
	[tilespmem:s24+$0xFFFFFF30] =	vst v4;
	v58 =	vld [tilespmem:s23+$0xFFFFFF80]  }
0xa8: {  	[tilespmem:s22+$0x0] =	vst v5;
	v0 =	vmul.f32 $8.000000000e+00, v0;
	v56 =	vld [tilespmem:s23+$0xFFFFFE80]  }
0xa9: {  	[tilespmem:s22+$0xFFFFFF40] =	vst v1;
	v59 =	vmul.f32 $8.000000000e+00, v2  }
0xaa: {  	[tilespmem:s22+$0xFFFFFF80] =	vst v0;
	v60 =	vmul.f32 $8.000000000e+00, v55  }
0xab: {  	p0 =	seq.s32 s20, $0x18;
	[tilespmem:s22+$0xFFFFFFC0] =	vst v59;
	v62 =	vmul.f32 $8.000000000e+00, v57  }
.Ltmp7:
0xac: {  	[tilespmem:s24+$0x0] =	vst v60;
	v63 =	vmul.f32 $8.000000000e+00, v58;
	(pc) =	sbr.rel @p0 .LBB2_12-.Ltmp7, $4  }
0xad: {  	v61 =	vmul.f32 $8.000000000e+00, v56;
	[tilespmem:s24+$0xFFFFFF80] =	vst v62  }
0xae: {  	s31 =	sshll.u32 s20, $0xB;
	[tilespmem:s24+$0xFFFFFFC0] =	vst v63  }
0xaf: {  	s22 =	sadd.s32 s8, s31;
	[tilespmem:s24+$0xFFFFFF40] =	vst v61  }
0xb0: {  	[hbm4b:s22+s4] =	stream.linear.scatter [tilespmem:s17], [sflag:$0x4], $0x2000, $0x38;
	[tilespmem:$0xD900] =	vst v63  }
.Ltmp8:
0xb1: {  	(pc) =	sbr.rel .LBB2_2-.Ltmp8, $4  }
0xb2: {  	_ = 	snop  }
0xb3: {  	s21 =	sshrl.u32 s21, $0x2  }
0xb4: {  	s20 =	sadd.s32 $0x1, s20;
	s21 =	sadd.s32 $0x180, s21  }
0xb5: {  	[tilespmem:s12], [sflag:$0x2] =	stream.indirect.gather [hbm4b:s2+s10], $0x80, s21, s10, $0xb8;
	[tilespmem:$0xD900] =	vst v63  }
.LBB2_13:
0xb6: {  	_ =	sfence.sel $0x180000  }
0xb7: {  	[bflag:$0x0] =	sbarrier.arrive $0xFFFF  }
0xb8: {  	p0 =	sne.s32 s0, $0x0;
	_ =	strace $0x90000047  }
0xb9: {  	s0 =	sadd.s32 @!p0 $0x100000, s1;
	[bflag:$0x2] =	sbarrier.arrive $0xFFFF  }
0xba: {  	[sflag:s0] =	ssyncadd.tile.s32 @!p0 $0x1;
	_ =	shalt  }
.Lfunc_end2:
_tile_overlayer_lowered:
.L_overlay_start_2:
0xbb: {  	(tag) =	ssettag $0x2  }
0xbc: {  	s0 =	rddreg [dreg:$0x0];
	s2 =	stileid.u32  }
0xbd: {  	s1 =	rddreg [dreg:$0x1];
	p0 =	sne.s32 s2, $0x0  }
0xbe: {  	s3 =	rddreg [dreg:$0x2];
	[bflag:$0x3] =	sbarrier.arrive $0xFFFF;
	s2 =	simm.s32 @!p0 $0x1C05  }
0xbf: {  	[timem:s3], [sflag:s2] =	dma.local @!p0 [hbm:s0], s1  }
0xc0: {  	s0 =	simm.s32 @!p0 $0x5  }
0xc1: {  	_ =	swait.ge @!p0 [sflag:s0], s1  }
0xc2: {  	s1 =	ssub.s32 @!p0 $0x0, s1;
	[sflag:s0] =	ssyncset.done @!p0 $0x0  }
0xc3: {  	[sflag:s0] =	ssyncadd.s32 @!p0 s1  }
0xc4: {  	[bflag:$0x3] =	sbarrier.arrive $0xFFFF  }
0xc5: {  	_ =	shalt  }

// kernel: sparse-core-data-format-call.cloned.1.call-start
scs
called_computation_lowered:
.L_overlay_start_0:
0x0: {  	s2 =	sld [smem:$0x3FD9]  }
0x1: {  	s3 =	sld [smem:$0x3FFE];
	_ =	sdelay $0x1  }
0x2: {  	s1 =	srdreg.scid  }
0x3: {  	s0 =	sand.u32 $0x1, s1  }
0x4: {  	s18 =	sshll.u32 s0, $0xA;
	s2 =	sadd.s32 s3, s2  }
0x5: {  	s2 =	sadd.s32 s2, s18  }
0x6: {  	[smem:$0x3FC6] =	sst s2  }
0x7: {  	_ = 	snop  }
0x8: {  	s2 =	sld [smem:$0x3FD0];
	(tm) =	ssettm $0x1  }
0x9: {  	s19 =	sld [smem:$0x3FFB];
	_ =	sdelay $0x3  }
0xa: {  	_ =	strace s19  }
0xb: {  	s3 =	sld [smem:$0x3FFC];
	_ =	sdelay $0x3  }
0xc: {  	_ =	strace s3  }
0xd: {  	s3 =	sld [smem:$0x3FFD];
	_ =	sdelay $0x3  }
0xe: {  	_ =	strace s3  }
0xf: {  	_ =	strace $0x8FFFFFFF  }
0x10: {  	s20 =	sld [smem:$0x3FDB];
	_ =	sdelay $0x1  }
0x11: {  	s4 =	simm.s32 $_scs_section_size  }
0x12: {  	s5 =	simm.s32 $_size__tile_overlayer_lowered;
	s6 =	simm.s32 $_tile_overlayer_lowered  }
0x13: {  	s23 =	simm.s32 $0x1BFF;
	s22 =	sshll.u32 s6, $0x1;
	s3 =	sadd.s32 s4, s20  }
0x14: {  	s7 =	simm.s32 $0x0;
	s21 =	sshll.u32 s5, $0x1;
	s5 =	sadd.s32 s22, s3  }
0x15: {  	[timem:s7], [sflag:s23] =	dma.local [hbm:s5], s21  }
0x16: {  	_ =	swait.ge [sflag:s23], s21  }
0x17: {  	s4 =	ssub.s32 $0x0, s21;
	[sflag:s23] =	ssyncset.done $0x0  }
0x18: {  	[sflag:s23] =	ssyncadd.s32 s4;
	_ =	sdelay $0x1  }
0x19: {  	s24 =	simm.s32 $0x1B8B  }
0x1a: {  	_ =	swait.ge [sflag:s24], $0x1  }
0x1b: {  	[sflag:s24] =	ssyncset.done $0x0  }
0x1c: {  	s26 =	simm.s32 $0x1B8E;
	s25 =	sld [smem:$0x3FFE];
	[sflag:s24] =	ssyncadd.s32 $0xFFFFFFFF  }
0x1d: {  	s27 =	simm.s32 $execute0_lowered;
	[smem:$0x3FD2] =	sst s26  }
0x1e: {  	s5 =	sshll.u32 s27, $0x1;
	_ =	strace $0x80000049;
	[dreg:$0x1] =	wrdreg $0xFFFFFFFF  }
0x1f: {  	s28 =	simm.s32 $_size_execute0_lowered;
	s3 =	sadd.s32 s3, s5;
	[dreg:$0x0] =	wrdreg $0x0  }
0x20: {  	s5 =	sshll.u32 s28, $0x1;
	[dreg:$0x2] =	wrdreg s3  }
0x21: {  	[dreg:$0x3] =	wrdreg s5  }
0x22: {  	[dreg:$0x4] =	wrdreg $0xC0  }
0x23: {  	_ =	task [dreg:s7], $0x5FFFF  }
0x24: {  	[dreg:$0x1] =	wrdreg $0xFFFFFFFF  }
0x25: {  	[dreg:$0x0] =	wrdreg $0x60  }
0x26: {  	[dreg:$0x2] =	wrdreg s25  }
0x27: {  	[dreg:$0x3] =	wrdreg s2  }
0x28: {  	[dreg:$0x4] =	wrdreg $0x9  }
0x29: {  	_ =	task.clear_ibuf [dreg:s7], $0x5FFFF;
	_ =	strace $0x90000049  }
0x2a: {  	s29 =	simm.s32 $0x9;
	_ =	strace $0x8000004B  }
0x2b: {  	_ =	swait.ge [sflag:s29], $0x1  }
0x2c: {  	[sflag:s29] =	ssyncadd.s32 $0xFFFFFFFF  }
0x2d: {  	_ =	strace $0x9000004B  }
0x2e: {  	_ =	sfence  }
0x2f: {  	s30 =	sld [smem:$0x0];
	_ =	sdelay $0x2  }
0x30: {  	s31 =	sshll.u32 s1, $0xD;
	s1 =	sshrl.u32 s1, $0x2  }
0x31: {  	s3 =	sand.u32 $0x4000, s31;
	s1 =	sadd.s32 s1, s30  }
0x32: {  	s0 =	sor.u32 s3, s0;
	s1 =	sshll.u32 s1, $0x11  }
0x33: {  	s0 =	sor.u32 s1, s0  }
0x34: {  	s0 =	sadd.s32 $0x8F2B, s0  }
0x35: {  	[sflag:s0] =	ssyncadd.remote.s32 $0x1  }
0x36: {  	_ =	sfence.sel $0xFFFF  }
0x37: {  	[dreg:$0x0] =	wrdreg $0xFFFFFFFF;
	(pc) =	sbr.abs _section_cstart, $3  }
0x38: {  	[dreg:$0x1] =	wrdreg $0xFFFFFFFF  }
0x39: {  	_ =	task.clear_ibuf [dreg:s7], $0x2FFFF;
	_ =	strace $0x9FFFFFFF  }
0x3a: {  	(tm) =	ssettm $0x7FFFFFFF  }
0x3b: {  	_ =	shalt  }
tec
execute0_lowered:
.L_overlay_start_1:
0x0: {  	(tag) =	ssettag $0x1  }
0x1: {  	s0 =	srdreg.scid  }
0x2: {  	s1 =	sshll.u32 s0, $0x4  }
0x3: {  	s4 =	rddreg [dreg:$0x0];
	s0 =	stileid.u32;
	s1 =	sand.u32 $0x10, s1  }
0x4: {  	s2 =	rddreg [dreg:$0x1];
	s7 =	simm.s32 $0x1;
	s1 =	sor.u32 s0, s1  }
0x5: {  	s8 =	simm.s32 $0x2;
	s11 =	simm.s32 $0x0;
	s3 =	sshll.u32 s1, $0x7  }
0x6: {  	s10 =	simm.s32 $0x0;
	s4 =	sadd.s32 $0x800, s4;
	s6 =	ssub.s32 $0x32000, s3  }
.Ltmp0:
0x7: {  	s1 =	rddreg [dreg:$0x2];
	s5 =	sand.u32 $0xF80, s6;
	(pc) =	sbr.rel .LBB1_1-.Ltmp0, $4  }
0x8: {  	_ =	strace $0x8000004A;
	s9 =	smov.u32 s3;
	p0 =	sne.s32 s5, $0x0  }
0x9: {  	s6 =	sshrl.u32 s6, $0xC;
	s5 =	simm.s32 $0x1;
	s7 =	simm.s32 @!p0 $0x0  }
0xa: {  	[sflag:s5] =	ssyncpa.u1 $0x0;
	p0 =	por $0x0, $0x0;
	s6 =	sadd.s32 s7, s6  }
0xb: {  	[sflag:s8] =	ssyncpa.u1 $0x0;
	s8 =	simm.s32 $0x190000;
	s7 =	sadd.s32 $0x1, s6  }
.LBB1_4:
0xc: {  	s14 =	sshll.u32 s11, $0x3  }
0xd: {  	s30 =	sand.u32 $0x7F, s11;
	s15 =	sand.u32 $0xFFFFFC00, s14  }
0xe: {  	s11 =	sor.u32 s30, s15  }
0xf: {  	s15 =	smulhi.u32 $0x51EB851F, s11  }
0x10: {  	s14 =	smulhi.u32 $0x51EB851F, s14  }
0x11: {  	s15 =	sshrl.u32 s15, $0x10  }
0x12: {  	s14 =	sshrl.u32 s14, $0x10;
	s15 =	smul.u32 $0x32000, s15  }
0x13: {  	s14 =	sand.u32 $0x3F, s14  }
0x14: {  	s14 =	smul.u32 $0x6400, s14;
	s11 =	ssub.s32 s11, s15  }
0x15: {  	[tilespmem:s13+$0x810 ss:$0x81] =	vst.msk $0xffff, v2;
	s15 =	sand.u32 $0x7, s11  }
0x16: {  	[tilespmem:s13+$0x1020 ss:$0x81] =	vst.msk $0xffff, v0;
	s14 =	sadd.s32 s2, s14;
	s11 =	sshrl.u32 s11, $0x3;
	s15 =	sshll.u32 s15, $0x12  }
0x17: {  	[tilespmem:s13+$0x0 ss:$0x81] =	vst.msk $0xffff, v1;
	s11 =	sadd.s32 s11, s14;
	s31 =	sor.u32 $0x400, s15  }
0x18: {  	[hbm4b:s11+s31] =	stream.strided.scatter [tilespmem:s12], [sflag:$0x2], $0x2000, s8, s31, $0x20;
	[tilespmem:$0x8080] =	vst v63  }
.LBB1_5:
0x19: {  	s13 =	sadd.s32 $0x1000, s9  }
0x1a: {  	p2 =	sgt.s32 s13, $0x31FFF  }
0x1b: {  	s13 =	smov.u32 @p2 s3;
	p2 =	sne.s32 s10, s7  }
.Ltmp1:
0x1c: {  	p1 =	slt.u32 s10, $0x2;
	(pc) =	sbr.rel @!p2 .LBB1_6-.Ltmp1, $4  }
0x1d: {  	s12 =	simm.s32 @!p1 $0x2  }
0x1e: {  	s14 =	sadd.s32 $0x1, s10;
	_ =	swait.ge @!p1 [sflag:s12], $0x2000  }
0x1f: {  	s11 =	smov.u32 s9;
	p0 =	por !p0, !p0;
	[sflag:s12] =	ssyncset.done @!p1 $0x0  }
0x20: {  	s10 =	smov.u32 s14;
	s9 =	smov.u32 s13;
	[sflag:s12] =	ssyncadd.s32 @!p1 $0xFFFFE000  }
.LBB1_1:
0x21: {  	p1 =	sge.u32 s10, s6  }
0x22: {  	s12 =	sand.u32 @!p1 $0x1FFFFFF, s9  }
0x23: {  	s13 =	smulhi.u32 @!p1 $0x147AE15, s12;
	_ =	sdelay $0x1  }
0x24: {  	s13 =	sshrl.u32 @!p1 s13, $0xA  }
0x25: {  	s13 =	smul.u32 @!p1 $0x32000, s13;
	_ =	sdelay $0x1  }
0x26: {  	s31 =	sadd.s32 $0xFFFFFFFF, s10;
	s14 =	sxor.u32 @!p1 $0xFFFFFFFF, s10;
	s12 =	ssub.s32 @!p1 s12, s13  }
0x27: {  	s15 =	simm.s32 @!p1 $0x80;
	s14 =	sshll.u32 @!p1 s14, $0xD;
	s12 =	sshll.u32 @!p1 s12, $0x4  }
0x28: {  	s13 =	sand.u32 @!p1 $0x2000, s14;
	s14 =	simm.s32 @!p1 $0x40;
	s12 =	sadd.s32 @!p1 s4, s12  }
0x29: {  	[tilespmem:s13], [sflag:$0x1] =	stream.strided.gather @!p1 [hbm4b:s12+s14], $0x2000, s15, s14, $0x38;
	[tilespmem:$0x8080] =	vst v63  }
0x2a: {  	p1 =	sge.u32 s31, s6  }
.Ltmp2:
0x2b: {  	_ = 	snop;
	(pc) =	sbr.rel @p1 .LBB1_5-.Ltmp2, $1  }
0x2c: {  	_ =	sdelay $0x3  }
0x2d: {  	s12 =	simm.s32 $0x1  }
0x2e: {  	_ =	swait.ge [sflag:s5], $0x2000;
	s12 =	simm.s32 @!p0 $0x0  }
0x2f: {  	[sflag:s5] =	ssyncset.done $0x0;
	s13 =	sshll.u32 s12, $0xD  }
0x30: {  	[sflag:s5] =	ssyncadd.s32 $0xFFFFE000;
	s16 =	sor.u32 $0x20, s13  }
0x31: {  	s12 =	smul.u32 $0x8100, s12;
	v3 =	vld [tilespmem:s16+$0x10]  }
0x32: {  	s30 =	sand.u32 $0x1, s10;
	v2 =	vld [tilespmem:s16+$0xFFFFFFF0]  }
0x33: {  	s13 =	smul.u32 $0x8100, s30;
	s12 =	sshrl.u32 s12, $0x2;
	v0 =	vld [tilespmem:s16+$0x0]  }
0x34: {  	v1 =	vld [tilespmem:s16+$0xFFFFFFE0];
	s14 =	sor.u32 $0x4000, s12  }
0x35: {  	s31 =	sshrl.u32 s13, $0x2;
	s13 =	sadd.s32 $0x0, s14  }
0x36: {  	s15 =	simm.s32 $0x4;
	s16 =	sadd.s32 $0x40, s16;
	s12 =	sor.u32 $0x4000, s31;
	[tilespmem:s13+$0x1830 ss:$0x81] =	vst.msk $0xffff, v3  }
.LBB1_3:
0x37: {  	v3 =	vld [tilespmem:s16+$0x10];
	p1 =	sne.s32 s15, $0x1FC;
	[tilespmem:s13+$0x810 ss:$0x81] =	vst.msk $0xffff, v2;
	s17 =	smov.u32 s15;
	s15 =	sadd.s32 $0x4, s15  }
.Ltmp3:
0x38: {  	v2 =	vld [tilespmem:s16+$0xFFFFFFF0];
	[tilespmem:s13+$0x1020 ss:$0x81] =	vst.msk $0xffff, v0;
	(pc) =	sbr.rel @p1 .LBB1_3-.Ltmp3, $4  }
0x39: {  	v0 =	vld [tilespmem:s16+$0x0];
	[tilespmem:s13+$0x0 ss:$0x81] =	vst.msk $0xffff, v1  }
0x3a: {  	s13 =	sshra.s32 s17, $0x2;
	v1 =	vld [tilespmem:s16+$0xFFFFFFE0]  }
0x3b: {  	s13 =	sadd.s32 s13, s14  }
0x3c: {  	s16 =	sadd.s32 $0x40, s16;
	[tilespmem:s13+$0x1830 ss:$0x81] =	vst.msk $0xffff, v3  }
.Ltmp4:
0x3d: {  	_ = 	snop;
	(pc) =	sbr.rel .LBB1_4-.Ltmp4, $1  }
0x3e: {  	_ =	sdelay $0x3  }
.LBB1_6:
0x3f: {  	_ =	sfence.sel $0x180000  }
0x40: {  	s2 =	simm.s32 $0x1;
	[bflag:$0x0] =	sbarrier.arrive $0xFFFF  }
0x41: {  	s31 =	simm.s32 $0x2;
	[sflag:s2] =	ssyncpa.u1 $0x1  }
0x42: {  	[sflag:s31] =	ssyncpa.u1 $0x1  }
0x43: {  	p0 =	sne.s32 s0, $0x0;
	_ =	strace $0x9000004A  }
0x44: {  	s0 =	sadd.s32 @!p0 $0x100000, s1;
	[bflag:$0x2] =	sbarrier.arrive $0xFFFF  }
0x45: {  	[sflag:s0] =	ssyncadd.tile.s32 @!p0 $0x1;
	_ =	shalt  }
.Lfunc_end1:
_tile_overlayer_lowered:
.L_overlay_start_2:
0x46: {  	(tag) =	ssettag $0x2  }
0x47: {  	s0 =	rddreg [dreg:$0x0];
	s2 =	stileid.u32  }
0x48: {  	s1 =	rddreg [dreg:$0x1];
	p0 =	sne.s32 s2, $0x0  }
0x49: {  	s3 =	rddreg [dreg:$0x2];
	[bflag:$0x3] =	sbarrier.arrive $0xFFFF;
	s2 =	simm.s32 @!p0 $0x1C01  }
0x4a: {  	[timem:s3], [sflag:s2] =	dma.local @!p0 [hbm:s0], s1  }
0x4b: {  	s0 =	simm.s32 @!p0 $0x1  }
0x4c: {  	_ =	swait.ge @!p0 [sflag:s0], s1  }
0x4d: {  	s1 =	ssub.s32 @!p0 $0x0, s1;
	[sflag:s0] =	ssyncset.done @!p0 $0x0  }
0x4e: {  	[sflag:s0] =	ssyncadd.s32 @!p0 s1  }
0x4f: {  	[bflag:$0x3] =	sbarrier.arrive $0xFFFF  }
0x50: {  	_ =	shalt  }

</sc_bundles>
